<compile_context>
chip_gen: v7x
topology: tpu7x:2x2x1
jax: 0.10.2.dev20260603
libtpu: 0.0.44.dev20260713+nightly
codegen_flags: <defaults>
</compile_context>

<pallas_src>
import functools

import jax
import jax.numpy as jnp
from jax import lax
from jax.experimental import pallas as pl
from jax.experimental.pallas import tpu as pltpu
from jax.experimental.pallas import tpu_sc as plsc

N = 10000
E = 160000
IN_FEATS = 128
OUT_FEATS = 128
MEM = 8
NUM_RELS = 5
RM = NUM_RELS * MEM

NC = 2
NS = 16
NW = NC * NS
CH = 128
EP = 163840
EPW = EP // NW
KCH = EPW // CH
K0CH = 58
K1CH = 22
EPWMAX = K0CH * CH
NP = 10240
NPT = NP // NS

@functools.lru_cache(maxsize=None)
def _build_sc_gather():
    mesh = plsc.VectorSubcoreMesh(
        core_axis_name="c", subcore_axis_name="s",
        num_cores=NC, num_subcores=NS)

    @functools.partial(
        pl.kernel,
        out_type=(jax.ShapeDtypeStruct((EP, IN_FEATS), jnp.float32),
                  jax.ShapeDtypeStruct((EP, IN_FEATS), jnp.float32)),
        mesh=mesh,
        scratch_types=[
            pltpu.VMEM((EPWMAX,), jnp.int32),
            pltpu.VMEM((EPWMAX,), jnp.int32),
            pltpu.VMEM((2, CH, IN_FEATS), jnp.float32),
            pltpu.VMEM((2, CH, IN_FEATS), jnp.float32),
            pltpu.SemaphoreType.DMA,
            pltpu.SemaphoreType.DMA,
            pltpu.SemaphoreType.DMA,
            pltpu.SemaphoreType.DMA,
        ],
    )
    def _sc_gather(x_hbm, src_hbm, dst_hbm, hs_hbm, hd_hbm,
                   si_v, di_v, sr_v, dr_v, ss0, ss1, sd0, sd1):
        cid = lax.axis_index("c")
        sid = lax.axis_index("s")
        my_k = jnp.where(cid == 0, K0CH, K1CH)
        base_c = jnp.where(cid == 0, NS * K1CH + sid * K0CH, sid * K1CH)
        base = pl.multiple_of(base_c * CH, 8)
        my_e = my_k * CH
        pltpu.sync_copy(src_hbm.at[pl.ds(base, EPWMAX)], si_v)
        pltpu.sync_copy(dst_hbm.at[pl.ds(base, EPWMAX)], di_v)

        def body(k2, carry):
            o0 = pl.multiple_of(base + (2 * k2) * CH, 8)
            o1 = pl.multiple_of(base + (2 * k2 + 1) * CH, 8)
            c0 = 2 * k2 * CH
            c1 = (2 * k2 + 1) * CH
            cs0 = pltpu.async_copy(x_hbm.at[si_v.at[pl.ds(c0, CH)]],
                                   sr_v.at[0], ss0)
            cd0 = pltpu.async_copy(x_hbm.at[di_v.at[pl.ds(c0, CH)]],
                                   dr_v.at[0], sd0)
            cs1 = pltpu.async_copy(x_hbm.at[si_v.at[pl.ds(c1, CH)]],
                                   sr_v.at[1], ss1)
            cd1 = pltpu.async_copy(x_hbm.at[di_v.at[pl.ds(c1, CH)]],
                                   dr_v.at[1], sd1)
            cs0.wait()
            pltpu.sync_copy(sr_v.at[0], hs_hbm.at[pl.ds(o0, CH)])
            cd0.wait()
            pltpu.sync_copy(dr_v.at[0], hd_hbm.at[pl.ds(o0, CH)])
            cs1.wait()
            pltpu.sync_copy(sr_v.at[1], hs_hbm.at[pl.ds(o1, CH)])
            cd1.wait()
            pltpu.sync_copy(dr_v.at[1], hd_hbm.at[pl.ds(o1, CH)])
            return carry

        lax.fori_loop(0, my_k // 2, body, 0)

    return _sc_gather


@functools.lru_cache(maxsize=None)
def _build_sc_scatter():
    mesh = plsc.VectorSubcoreMesh(
        core_axis_name="c", subcore_axis_name="s",
        num_cores=NC, num_subcores=NS)

    @functools.partial(
        pl.kernel,
        out_type=(jax.ShapeDtypeStruct((NC * NP, OUT_FEATS), jnp.float32),
                  jax.ShapeDtypeStruct((NW * NP,), jnp.float32)),
        mesh=mesh,
        compiler_params=pltpu.CompilerParams(needs_layout_passes=False),
        scratch_types=[
            pltpu.VMEM((2, CH), jnp.int32),
            pltpu.VMEM((2, CH, OUT_FEATS), jnp.float32),
            pltpu.VMEM((NP,), jnp.float32),
            pltpu.VMEM_SHARED((NP, OUT_FEATS), jnp.float32),
            pltpu.SemaphoreType.DMA,
            pltpu.SemaphoreType.DMA,
        ],
    )
    def _sc_scatter(msg_hbm, dst_hbm, zsum_hbm, zhist_hbm, psum_hbm, hist_hbm,
                    di_v, mr_v, hist_v, ssum, sm0, sm1):
        cid = lax.axis_index("c")
        sid = lax.axis_index("s")
        wid = sid * NC + cid
        row0 = sid * NPT
        pltpu.sync_copy(zsum_hbm, ssum.at[pl.ds(row0, NPT)])
        pltpu.sync_copy(zhist_hbm, hist_v)
        plsc.subcore_barrier()

        base = wid * EPW

        def body(k2, carry):
            o0 = pl.multiple_of(base + (2 * k2) * CH, 8)
            o1 = pl.multiple_of(base + (2 * k2 + 1) * CH, 8)
            pltpu.sync_copy(dst_hbm.at[pl.ds(o0, CH)], di_v.at[0])
            pltpu.sync_copy(dst_hbm.at[pl.ds(o1, CH)], di_v.at[1])
            c0 = pltpu.async_copy(msg_hbm.at[pl.ds(o0, CH)], mr_v.at[0], sm0)
            c1 = pltpu.async_copy(msg_hbm.at[pl.ds(o1, CH)], mr_v.at[1], sm1)
            c0.wait()
            pltpu.sync_copy(mr_v.at[0], ssum.at[di_v.at[0]], add=True)
            for j in range(CH // 16):
                idx = di_v[0, pl.ds(j * 16, 16)]
                plsc.addupdate_scatter(hist_v, [idx], jnp.ones((16,), jnp.float32))
            c1.wait()
            pltpu.sync_copy(mr_v.at[1], ssum.at[di_v.at[1]], add=True)
            for j in range(CH // 16):
                idx = di_v[1, pl.ds(j * 16, 16)]
                plsc.addupdate_scatter(hist_v, [idx], jnp.ones((16,), jnp.float32))
            return carry

        lax.fori_loop(0, KCH // 2, body, 0)
        plsc.subcore_barrier()
        out0 = pl.multiple_of(cid * NP + row0, 8)
        pltpu.sync_copy(ssum.at[pl.ds(row0, NPT)], psum_hbm.at[pl.ds(out0, NPT)])
        h0 = pl.multiple_of(wid * NP, 8)
        pltpu.sync_copy(hist_v, hist_hbm.at[pl.ds(h0, NP)])

    return _sc_scatter


BE = 2048


def _msg_body(et_ref, hs_ref, hd_ref, wct_ref, bc_ref, m_ref, out_ref, g_ref):
    hd = hd_ref[...]
    hs = hs_ref[...].astype(jnp.bfloat16)
    coef = jnp.dot(hd, wct_ref[...], preferred_element_type=jnp.float32)
    coef = coef + bc_ref[...]
    coef = jnp.where(coef >= 0.0, coef, 0.2 * coef)
    rel = lax.broadcasted_iota(jnp.int32, (BE, RM), 1) // MEM
    coef = jnp.where(rel == et_ref[...], coef, 0.0).astype(jnp.bfloat16)
    for j in range(RM):
        g_ref[:, j * IN_FEATS:(j + 1) * IN_FEATS] = coef[:, j:j + 1] * hs
    out_ref[...] = jnp.dot(g_ref[...], m_ref[...],
                           preferred_element_type=jnp.float32)


def _tc_msg(et2, hs, hd, wc_t, bc_all, m_flat):
    grid = (EP // BE,)
    return pl.pallas_call(
        _msg_body,
        grid=grid,
        in_specs=[
            pl.BlockSpec((BE, 1), lambda i: (i, 0)),
            pl.BlockSpec((BE, IN_FEATS), lambda i: (i, 0)),
            pl.BlockSpec((BE, IN_FEATS), lambda i: (i, 0)),
            pl.BlockSpec((IN_FEATS, RM), lambda i: (0, 0)),
            pl.BlockSpec((1, RM), lambda i: (0, 0)),
            pl.BlockSpec((RM * IN_FEATS, OUT_FEATS), lambda i: (0, 0)),
        ],
        out_specs=pl.BlockSpec((BE, OUT_FEATS), lambda i: (i, 0)),
        out_shape=jax.ShapeDtypeStruct((EP, OUT_FEATS), jnp.float32),
        scratch_shapes=[pltpu.VMEM((BE, RM * IN_FEATS), jnp.bfloat16)],
        compiler_params=pltpu.CompilerParams(
            dimension_semantics=("arbitrary",)),
    )(et2, hs, hd, wc_t, bc_all, m_flat)


BN = 1000


def _fin_body(p0_ref, p1_ref, ht_ref, x_ref, wcnt_ref, bcn_ref,
              mn_ref, hb_ref, g_ref, b_ref, out_ref, gn_ref):
    sums = p0_ref[...] + p1_ref[...]
    cnt = jnp.sum(ht_ref[...], axis=1, keepdims=True)
    rep = jnp.where(cnt > 0.0, sums / jnp.maximum(cnt, 1.0), 0.0)
    mu = jnp.mean(rep, axis=-1, keepdims=True)
    ctr = rep - mu
    var = jnp.mean(ctr * ctr, axis=-1, keepdims=True)
    rep = ctr * lax.rsqrt(var + 1e-5) * g_ref[...] + b_ref[...] + hb_ref[...]
    xb = x_ref[...]
    coefn = jnp.dot(xb, wcnt_ref[...], preferred_element_type=jnp.float32)
    coefn = coefn + bcn_ref[...]
    coefn = jnp.where(coefn >= 0.0, coefn, 0.2 * coefn)
    for m in range(MEM):
        gn_ref[:, m * IN_FEATS:(m + 1) * IN_FEATS] = coefn[:, m:m + 1] * xb
    rep = rep + jnp.dot(gn_ref[...], mn_ref[...],
                        preferred_element_type=jnp.float32)
    out_ref[...] = jnp.where(rep >= 0.0, rep, 0.2 * rep)


def _tc_finalize(p0, p1, hist_t, x, wcn_t, bcn, mn_flat, h_bias, ln_g, ln_b):
    grid = (N // BN,)
    return pl.pallas_call(
        _fin_body,
        grid=grid,
        in_specs=[
            pl.BlockSpec((BN, OUT_FEATS), lambda i: (i, 0)),
            pl.BlockSpec((BN, OUT_FEATS), lambda i: (i, 0)),
            pl.BlockSpec((BN, NW), lambda i: (i, 0)),
            pl.BlockSpec((BN, IN_FEATS), lambda i: (i, 0)),
            pl.BlockSpec((IN_FEATS, MEM), lambda i: (0, 0)),
            pl.BlockSpec((1, MEM), lambda i: (0, 0)),
            pl.BlockSpec((MEM * IN_FEATS, OUT_FEATS), lambda i: (0, 0)),
            pl.BlockSpec((1, OUT_FEATS), lambda i: (0, 0)),
            pl.BlockSpec((1, OUT_FEATS), lambda i: (0, 0)),
            pl.BlockSpec((1, OUT_FEATS), lambda i: (0, 0)),
        ],
        out_specs=pl.BlockSpec((BN, OUT_FEATS), lambda i: (i, 0)),
        out_shape=jax.ShapeDtypeStruct((N, OUT_FEATS), jnp.float32),
        scratch_shapes=[pltpu.VMEM((BN, MEM * IN_FEATS), jnp.float32)],
        compiler_params=pltpu.CompilerParams(
            dimension_semantics=("arbitrary",)),
    )(p0, p1, hist_t, x, wcn_t, bcn, mn_flat, h_bias, ln_g, ln_b)


def kernel(x, edge_index, edge_type, wc_rel, bc_rel, ww_rel,
           wc_node, bc_node, ww_node, h_bias, ln_gamma, ln_beta):
    src = edge_index[0]
    dst = edge_index[1]

    m_flat = ww_rel.reshape(NUM_RELS, OUT_FEATS, IN_FEATS, MEM)
    m_flat = m_flat.transpose(0, 3, 2, 1).reshape(RM * IN_FEATS, OUT_FEATS)
    wc_t = wc_rel.reshape(RM, IN_FEATS).T
    bc_all = bc_rel.reshape(1, RM)
    mn_flat = ww_node.reshape(OUT_FEATS, IN_FEATS, MEM)
    mn_flat = mn_flat.transpose(2, 1, 0).reshape(MEM * IN_FEATS, OUT_FEATS)
    wcn_t = wc_node.T
    bcn = bc_node.reshape(1, MEM)

    pad_i = jnp.zeros((EP - E,), jnp.int32)
    src_p = jnp.concatenate([src, pad_i])
    dst_gp = jnp.concatenate([dst, pad_i])
    dst_sp = jnp.concatenate([dst, pad_i + (NP - 1)])
    et_p = jnp.concatenate([edge_type, pad_i])

    hs, hd = _build_sc_gather()(x, src_p, dst_gp)

    msg = _tc_msg(et_p.reshape(EP, 1), hs, hd,
                  wc_t, bc_all, m_flat.astype(jnp.bfloat16))

    zsum = jnp.zeros((NPT, OUT_FEATS), jnp.float32)
    zhist = jnp.zeros((NP,), jnp.float32)
    psum, hist = _build_sc_scatter()(msg, dst_sp, zsum, zhist)
    psum = psum.reshape(NC, NP, OUT_FEATS)
    hist_t = hist.reshape(NW, NP)[:, :N].T

    return _tc_finalize(psum[0, :N], psum[1, :N], hist_t, x,
                        wcn_t, bcn, mn_flat,
                        h_bias.reshape(1, OUT_FEATS),
                        ln_gamma.reshape(1, OUT_FEATS),
                        ln_beta.reshape(1, OUT_FEATS))

# --- scband reference (transcript-rebuilt; emitter-appended) ---
"""Pipeline reference for scband-ghmt-41747082117529 (READ-ONLY COPY).

The authoritative reference and input builder live on the scoring server;
editing this copy changes nothing except your own understanding.
"""

import jax, jax.numpy as jnp
import numpy as np

N = 10000
E = 160000
IN_FEATS = 128
OUT_FEATS = 128
MEM = 8
NUM_RELS = 5


def _leaky(v):
    return jnp.where(v >= 0, v, 0.2 * v)


def _mem_encode(h_dst, h_src, wc, bc, ww):
    # coef = LeakyReLU(0.2)(h_dst @ wc.T + bc)           [B, MEM]
    # w[b,o,i] = sum_m coef[b,m] * ww[o*IN+i, m]  (Linear(mem, out*in, bias=False) then view(-1,out,in))
    # res[b,o] = sum_i w[b,o,i] * h_src[b,i]
    # computed as (coef outer h_src) @ M to avoid materializing [B, out, in]
    coef = _leaky(h_dst @ wc.T + bc)
    M = jnp.transpose(ww.reshape(OUT_FEATS, IN_FEATS, MEM), (2, 1, 0)).reshape(MEM * IN_FEATS, OUT_FEATS)
    g = (coef[:, :, None] * h_src[:, None, :]).reshape(h_src.shape[0], MEM * IN_FEATS)
    return g @ M


def setup_inputs(seed: int = 0):
    key = jax.random.key(seed)
    ks = jax.random.split(key, 10)
    x = jax.random.normal(ks[0], (N, IN_FEATS), dtype=jnp.float32)
    edge_index = jax.random.randint(ks[1], (2, E), 0, N, dtype=jnp.int32)
    edge_type = jax.random.randint(ks[2], (E,), 0, NUM_RELS, dtype=jnp.int32)
    wc_rel = jax.random.normal(ks[3], (NUM_RELS, MEM, IN_FEATS), dtype=jnp.float32) * 0.05
    bc_rel = jnp.zeros((NUM_RELS, MEM), dtype=jnp.float32)
    ww_rel = jax.random.normal(ks[4], (NUM_RELS, OUT_FEATS * IN_FEATS, MEM), dtype=jnp.float32) * 0.02
    wc_node = jax.random.normal(ks[5], (MEM, IN_FEATS), dtype=jnp.float32) * 0.05
    bc_node = jnp.zeros((MEM,), dtype=jnp.float32)
    ww_node = jax.random.normal(ks[6], (OUT_FEATS * IN_FEATS, MEM), dtype=jnp.float32) * 0.02
    h_bias = jnp.zeros((OUT_FEATS,), dtype=jnp.float32)
    ln_gamma = jnp.ones((OUT_FEATS,), dtype=jnp.float32)
    ln_beta = jnp.zeros((OUT_FEATS,), dtype=jnp.float32)
    return {"x": x, "edge_index": edge_index, "edge_type": edge_type,
            "wc_rel": wc_rel, "bc_rel": bc_rel, "ww_rel": ww_rel,
            "wc_node": wc_node, "bc_node": bc_node, "ww_node": ww_node,
            "h_bias": h_bias, "ln_gamma": ln_gamma, "ln_beta": ln_beta}


def reference(x, edge_index, edge_type, wc_rel, bc_rel, ww_rel, wc_node, bc_node, ww_node, h_bias, ln_gamma, ln_beta):
    src = edge_index[0]
    dst = edge_index[1]
    # message_func1: per edge-type memory encoding of (dst, src) features
    h_s_all = jnp.take(x, src, axis=0)
    h_d_all = jnp.take(x, dst, axis=0)
    msg = jnp.zeros((E, OUT_FEATS), dtype=x.dtype)
    for t in range(NUM_RELS):
        sub = _mem_encode(h_d_all, h_s_all, wc_rel[t], bc_rel[t], ww_rel[t])
        msg = jnp.where((edge_type == t)[:, None], sub, msg)
    # fn.mean aggregation over incoming edges
    sums = jax.ops.segment_sum(msg, dst, num_segments=N)
    cnt = jax.ops.segment_sum(jnp.ones((E,), dtype=x.dtype), dst, num_segments=N)
    node_rep = jnp.where(cnt[:, None] > 0, sums / jnp.maximum(cnt, 1.0)[:, None], 0.0)
    # LayerNorm
    mu = jnp.mean(node_rep, axis=-1, keepdims=True)
    var = jnp.var(node_rep, axis=-1, keepdims=True)
    node_rep = (node_rep - mu) / jnp.sqrt(var + 1e-5) * ln_gamma + ln_beta
    # bias
    node_rep = node_rep + h_bias
    # self loop memory encoding
    node_rep = node_rep + _mem_encode(x, x, wc_node, bc_node, ww_node)
    # activation LeakyReLU(0.2); dropout is identity in eval
    node_rep = _leaky(node_rep)
    return node_rep

if __name__ == "__main__":
    import jax
    _d = setup_inputs()
    print(jax.jit(kernel)(*tuple(_d.values())))

</pallas_src>

<mosaic_0001>
#map = affine_map<(d0, d1) -> (0, 0)>
#map1 = affine_map<(d0, d1) -> (0)>
module attributes {stable_mosaic.version = 14 : i64} {
  func.func @_sc_scatter(%arg0: i32, %arg1: i32, %arg2: memref<163840x128xf32, #tpu.memory_space<hbm>>, %arg3: memref<163840xi32, #tpu.memory_space<hbm>>, %arg4: memref<640x128xf32, #tpu.memory_space<hbm>>, %arg5: memref<10240xf32, #tpu.memory_space<hbm>>, %arg6: memref<20480x128xf32, #tpu.memory_space<hbm>>, %arg7: memref<327680xf32, #tpu.memory_space<hbm>>, %arg8: memref<2x128xi32, #tpu.memory_space<vmem>>, %arg9: memref<2x128x128xf32, #tpu.memory_space<vmem>>, %arg10: memref<10240xf32, #tpu.memory_space<vmem>>, %arg11: memref<10240x128xf32, #tpu.memory_space<vmem_shared>>, %arg12: memref<!tpu.dma_semaphore, #tpu.memory_space<semaphore_mem>>, %arg13: memref<!tpu.dma_semaphore, #tpu.memory_space<semaphore_mem>>) attributes {dimension_semantics = [#tpu.dimension_semantics<core_parallel>, #tpu.dimension_semantics<subcore_parallel>], iteration_bounds = array<i64: 2, 16>, scalar_prefetch = 0 : i64, scratch_operands = 6 : i64, tpu.core_type = #tpu.core_type<sc_vector_subcore>, window_params = [{transform_indices = #map}, {transform_indices = #map1}, {transform_indices = #map}, {transform_indices = #map1}, {transform_indices = #map}, {transform_indices = #map1}]} {
    %mul3A = arith.constant 2 : i32
    %mul3A_0 = arith.muli %arg1, %mul3A : i32
    %add3A = arith.addi %mul3A_0, %arg0 : i32
    %mul3A_1 = arith.constant 640 : i32
    %mul3A_2 = arith.muli %arg1, %mul3A_1 : i32
    "tpu.region"() ({
      %run_scoped3A = tpu.sem_alloc : memref<!tpu.dma_semaphore, #tpu.memory_space<semaphore_mem>>
      %dma_start3A = arith.constant 0 : i32
      %dma_start3A_17 = tpu.memref_slice %arg11[%mul3A_2, %dma_start3A] : memref<10240x128xf32, #tpu.memory_space<vmem_shared>> -> memref<640x128xf32, #tpu.memory_space<vmem_shared>>
      tpu.enqueue_dma source(%arg4 : memref<640x128xf32, #tpu.memory_space<hbm>>) target(%dma_start3A_17 : memref<640x128xf32, #tpu.memory_space<vmem_shared>>) target_semaphore(%run_scoped3A : memref<!tpu.dma_semaphore, #tpu.memory_space<semaphore_mem>>)
      %dma_wait3A = arith.constant 0 : i32
      %dma_wait3A_18 = tpu.memref_slice %arg11[%mul3A_2, %dma_wait3A] : memref<10240x128xf32, #tpu.memory_space<vmem_shared>> -> memref<640x128xf32, #tpu.memory_space<vmem_shared>>
      tpu.wait_dma2 semaphore(%run_scoped3A : memref<!tpu.dma_semaphore, #tpu.memory_space<semaphore_mem>>) src(%arg4 : memref<640x128xf32, #tpu.memory_space<hbm>>) dst(%dma_wait3A_18 : memref<640x128xf32, #tpu.memory_space<vmem_shared>>)
      tpu.yield
    }) : () -> ()
    "tpu.region"() ({
      %run_scoped3A = tpu.sem_alloc : memref<!tpu.dma_semaphore, #tpu.memory_space<semaphore_mem>>
      tpu.enqueue_dma source(%arg5 : memref<10240xf32, #tpu.memory_space<hbm>>) target(%arg10 : memref<10240xf32, #tpu.memory_space<vmem>>) target_semaphore(%run_scoped3A : memref<!tpu.dma_semaphore, #tpu.memory_space<semaphore_mem>>)
      tpu.wait_dma2 semaphore(%run_scoped3A : memref<!tpu.dma_semaphore, #tpu.memory_space<semaphore_mem>>) src(%arg5 : memref<10240xf32, #tpu.memory_space<hbm>>) dst(%arg10 : memref<10240xf32, #tpu.memory_space<vmem>>)
      tpu.yield
    }) : () -> ()
    %barrier3A = arith.constant 0 : index
    tpu.barrier barrier_id(%barrier3A)
    %mul3A_3 = arith.constant 5120 : i32
    %mul3A_4 = arith.muli %add3A, %mul3A_3 : i32
    %scan3A = arith.constant 0 : i32
    %scan3A_5 = arith.constant 0 : i32
    %scan3A_6 = arith.constant 20 : i32
    %scan3A_7 = arith.addi %scan3A_5, %scan3A_6 : i32
    %scan3A_8 = arith.constant 1 : i32
    scf.for %scan3A_17 = %scan3A_5 to %scan3A_7 step %scan3A_8  : i32 {
      %mul3A_18 = arith.constant 2 : i32
      %mul3A_19 = arith.muli %mul3A_18, %scan3A_17 : i32
      %mul3A_20 = arith.constant 128 : i32
      %mul3A_21 = arith.muli %mul3A_19, %mul3A_20 : i32
      %add3A_22 = arith.addi %mul3A_4, %mul3A_21 : i32
      %multiple_of3A_23 = tpu.assume_multiple %add3A_22, 8 : i32
      %mul3A_24 = arith.constant 2 : i32
      %mul3A_25 = arith.muli %mul3A_24, %scan3A_17 : i32
      %add3A_26 = arith.constant 1 : i32
      %add3A_27 = arith.addi %mul3A_25, %add3A_26 : i32
      %mul3A_28 = arith.constant 128 : i32
      %mul3A_29 = arith.muli %add3A_27, %mul3A_28 : i32
      %add3A_30 = arith.addi %mul3A_4, %mul3A_29 : i32
      %multiple_of3A_31 = tpu.assume_multiple %add3A_30, 8 : i32
      %run_scoped3A = arith.constant 0 : i32
      "tpu.region"() ({
        %run_scoped3A_181 = tpu.sem_alloc : memref<!tpu.dma_semaphore, #tpu.memory_space<semaphore_mem>>
        %dma_start3A_182 = arith.constant 0 : i32
        %dma_start3A_183 = tpu.memref_slice %arg8[%run_scoped3A, %dma_start3A_182] : memref<2x128xi32, #tpu.memory_space<vmem>> -> memref<1x128xi32, #tpu.memory_space<vmem>>
        %dma_start3A_184 = tpu.memref_squeeze %dma_start3A_183 : memref<1x128xi32, #tpu.memory_space<vmem>> -> memref<128xi32, #tpu.memory_space<vmem>>
        %dma_start3A_185 = tpu.memref_slice %arg3[%multiple_of3A_23] : memref<163840xi32, #tpu.memory_space<hbm>> -> memref<128xi32, #tpu.memory_space<hbm>>
        %dma_start3A_186 = arith.constant 0 : i32
        %dma_start3A_187 = tpu.memref_slice %arg8[%run_scoped3A, %dma_start3A_186] : memref<2x128xi32, #tpu.memory_space<vmem>> -> memref<1x128xi32, #tpu.memory_space<vmem>>
        %dma_start3A_188 = tpu.memref_squeeze %dma_start3A_187 : memref<1x128xi32, #tpu.memory_space<vmem>> -> memref<128xi32, #tpu.memory_space<vmem>>
        %dma_start3A_189 = tpu.memref_slice %arg3[%multiple_of3A_23] : memref<163840xi32, #tpu.memory_space<hbm>> -> memref<128xi32, #tpu.memory_space<hbm>>
        tpu.enqueue_dma source(%dma_start3A_189 : memref<128xi32, #tpu.memory_space<hbm>>) target(%dma_start3A_188 : memref<128xi32, #tpu.memory_space<vmem>>) target_semaphore(%run_scoped3A_181 : memref<!tpu.dma_semaphore, #tpu.memory_space<semaphore_mem>>)
        %dma_wait3A_190 = arith.constant 0 : i32
        %dma_wait3A_191 = tpu.memref_slice %arg8[%run_scoped3A, %dma_wait3A_190] : memref<2x128xi32, #tpu.memory_space<vmem>> -> memref<1x128xi32, #tpu.memory_space<vmem>>
        %dma_wait3A_192 = tpu.memref_squeeze %dma_wait3A_191 : memref<1x128xi32, #tpu.memory_space<vmem>> -> memref<128xi32, #tpu.memory_space<vmem>>
        %dma_wait3A_193 = tpu.memref_slice %arg3[%multiple_of3A_23] : memref<163840xi32, #tpu.memory_space<hbm>> -> memref<128xi32, #tpu.memory_space<hbm>>
        %dma_wait3A_194 = arith.constant 0 : i32
        %dma_wait3A_195 = tpu.memref_slice %arg8[%run_scoped3A, %dma_wait3A_194] : memref<2x128xi32, #tpu.memory_space<vmem>> -> memref<1x128xi32, #tpu.memory_space<vmem>>
        %dma_wait3A_196 = tpu.memref_squeeze %dma_wait3A_195 : memref<1x128xi32, #tpu.memory_space<vmem>> -> memref<128xi32, #tpu.memory_space<vmem>>
        %dma_wait3A_197 = tpu.memref_slice %arg3[%multiple_of3A_23] : memref<163840xi32, #tpu.memory_space<hbm>> -> memref<128xi32, #tpu.memory_space<hbm>>
        tpu.wait_dma2 semaphore(%run_scoped3A_181 : memref<!tpu.dma_semaphore, #tpu.memory_space<semaphore_mem>>) src(%dma_wait3A_197 : memref<128xi32, #tpu.memory_space<hbm>>) dst(%dma_wait3A_196 : memref<128xi32, #tpu.memory_space<vmem>>)
        tpu.yield
      }) : () -> ()
      %run_scoped3A_32 = arith.constant 1 : i32
      "tpu.region"() ({
        %run_scoped3A_181 = tpu.sem_alloc : memref<!tpu.dma_semaphore, #tpu.memory_space<semaphore_mem>>
        %dma_start3A_182 = arith.constant 0 : i32
        %dma_start3A_183 = tpu.memref_slice %arg8[%run_scoped3A_32, %dma_start3A_182] : memref<2x128xi32, #tpu.memory_space<vmem>> -> memref<1x128xi32, #tpu.memory_space<vmem>>
        %dma_start3A_184 = tpu.memref_squeeze %dma_start3A_183 : memref<1x128xi32, #tpu.memory_space<vmem>> -> memref<128xi32, #tpu.memory_space<vmem>>
        %dma_start3A_185 = tpu.memref_slice %arg3[%multiple_of3A_31] : memref<163840xi32, #tpu.memory_space<hbm>> -> memref<128xi32, #tpu.memory_space<hbm>>
        %dma_start3A_186 = arith.constant 0 : i32
        %dma_start3A_187 = tpu.memref_slice %arg8[%run_scoped3A_32, %dma_start3A_186] : memref<2x128xi32, #tpu.memory_space<vmem>> -> memref<1x128xi32, #tpu.memory_space<vmem>>
        %dma_start3A_188 = tpu.memref_squeeze %dma_start3A_187 : memref<1x128xi32, #tpu.memory_space<vmem>> -> memref<128xi32, #tpu.memory_space<vmem>>
        %dma_start3A_189 = tpu.memref_slice %arg3[%multiple_of3A_31] : memref<163840xi32, #tpu.memory_space<hbm>> -> memref<128xi32, #tpu.memory_space<hbm>>
        tpu.enqueue_dma source(%dma_start3A_189 : memref<128xi32, #tpu.memory_space<hbm>>) target(%dma_start3A_188 : memref<128xi32, #tpu.memory_space<vmem>>) target_semaphore(%run_scoped3A_181 : memref<!tpu.dma_semaphore, #tpu.memory_space<semaphore_mem>>)
        %dma_wait3A_190 = arith.constant 0 : i32
        %dma_wait3A_191 = tpu.memref_slice %arg8[%run_scoped3A_32, %dma_wait3A_190] : memref<2x128xi32, #tpu.memory_space<vmem>> -> memref<1x128xi32, #tpu.memory_space<vmem>>
        %dma_wait3A_192 = tpu.memref_squeeze %dma_wait3A_191 : memref<1x128xi32, #tpu.memory_space<vmem>> -> memref<128xi32, #tpu.memory_space<vmem>>
        %dma_wait3A_193 = tpu.memref_slice %arg3[%multiple_of3A_31] : memref<163840xi32, #tpu.memory_space<hbm>> -> memref<128xi32, #tpu.memory_space<hbm>>
        %dma_wait3A_194 = arith.constant 0 : i32
        %dma_wait3A_195 = tpu.memref_slice %arg8[%run_scoped3A_32, %dma_wait3A_194] : memref<2x128xi32, #tpu.memory_space<vmem>> -> memref<1x128xi32, #tpu.memory_space<vmem>>
        %dma_wait3A_196 = tpu.memref_squeeze %dma_wait3A_195 : memref<1x128xi32, #tpu.memory_space<vmem>> -> memref<128xi32, #tpu.memory_space<vmem>>
        %dma_wait3A_197 = tpu.memref_slice %arg3[%multiple_of3A_31] : memref<163840xi32, #tpu.memory_space<hbm>> -> memref<128xi32, #tpu.memory_space<hbm>>
        tpu.wait_dma2 semaphore(%run_scoped3A_181 : memref<!tpu.dma_semaphore, #tpu.memory_space<semaphore_mem>>) src(%dma_wait3A_197 : memref<128xi32, #tpu.memory_space<hbm>>) dst(%dma_wait3A_196 : memref<128xi32, #tpu.memory_space<vmem>>)
        tpu.yield
      }) : () -> ()
      %dma_start3A = arith.constant 0 : i32
      %dma_start3A_33 = arith.constant 0 : i32
      %dma_start3A_34 = arith.constant 0 : i32
      %dma_start3A_35 = tpu.memref_slice %arg9[%dma_start3A, %dma_start3A_33, %dma_start3A_34] : memref<2x128x128xf32, #tpu.memory_space<vmem>> -> memref<1x128x128xf32, #tpu.memory_space<vmem>>
      %dma_start3A_36 = tpu.memref_squeeze %dma_start3A_35 : memref<1x128x128xf32, #tpu.memory_space<vmem>> -> memref<128x128xf32, #tpu.memory_space<vmem>>
      %dma_start3A_37 = arith.constant 0 : i32
      %dma_start3A_38 = tpu.memref_slice %arg2[%multiple_of3A_23, %dma_start3A_37] : memref<163840x128xf32, #tpu.memory_space<hbm>> -> memref<128x128xf32, #tpu.memory_space<hbm>>
      %dma_start3A_39 = arith.constant 0 : i32
      %dma_start3A_40 = arith.constant 0 : i32
      %dma_start3A_41 = tpu.memref_slice %arg9[%dma_start3A, %dma_start3A_39, %dma_start3A_40] : memref<2x128x128xf32, #tpu.memory_space<vmem>> -> memref<1x128x128xf32, #tpu.memory_space<vmem>>
      %dma_start3A_42 = tpu.memref_squeeze %dma_start3A_41 : memref<1x128x128xf32, #tpu.memory_space<vmem>> -> memref<128x128xf32, #tpu.memory_space<vmem>>
      %dma_start3A_43 = arith.constant 0 : i32
      %dma_start3A_44 = tpu.memref_slice %arg2[%multiple_of3A_23, %dma_start3A_43] : memref<163840x128xf32, #tpu.memory_space<hbm>> -> memref<128x128xf32, #tpu.memory_space<hbm>>
      tpu.enqueue_dma source(%dma_start3A_44 : memref<128x128xf32, #tpu.memory_space<hbm>>) target(%dma_start3A_42 : memref<128x128xf32, #tpu.memory_space<vmem>>) target_semaphore(%arg12 : memref<!tpu.dma_semaphore, #tpu.memory_space<semaphore_mem>>)
      %dma_start3A_45 = arith.constant 1 : i32
      %dma_start3A_46 = arith.constant 0 : i32
      %dma_start3A_47 = arith.constant 0 : i32
      %dma_start3A_48 = tpu.memref_slice %arg9[%dma_start3A_45, %dma_start3A_46, %dma_start3A_47] : memref<2x128x128xf32, #tpu.memory_space<vmem>> -> memref<1x128x128xf32, #tpu.memory_space<vmem>>
      %dma_start3A_49 = tpu.memref_squeeze %dma_start3A_48 : memref<1x128x128xf32, #tpu.memory_space<vmem>> -> memref<128x128xf32, #tpu.memory_space<vmem>>
      %dma_start3A_50 = arith.constant 0 : i32
      %dma_start3A_51 = tpu.memref_slice %arg2[%multiple_of3A_31, %dma_start3A_50] : memref<163840x128xf32, #tpu.memory_space<hbm>> -> memref<128x128xf32, #tpu.memory_space<hbm>>
      %dma_start3A_52 = arith.constant 0 : i32
      %dma_start3A_53 = arith.constant 0 : i32
      %dma_start3A_54 = tpu.memref_slice %arg9[%dma_start3A_45, %dma_start3A_52, %dma_start3A_53] : memref<2x128x128xf32, #tpu.memory_space<vmem>> -> memref<1x128x128xf32, #tpu.memory_space<vmem>>
      %dma_start3A_55 = tpu.memref_squeeze %dma_start3A_54 : memref<1x128x128xf32, #tpu.memory_space<vmem>> -> memref<128x128xf32, #tpu.memory_space<vmem>>
      %dma_start3A_56 = arith.constant 0 : i32
      %dma_start3A_57 = tpu.memref_slice %arg2[%multiple_of3A_31, %dma_start3A_56] : memref<163840x128xf32, #tpu.memory_space<hbm>> -> memref<128x128xf32, #tpu.memory_space<hbm>>
      tpu.enqueue_dma source(%dma_start3A_57 : memref<128x128xf32, #tpu.memory_space<hbm>>) target(%dma_start3A_55 : memref<128x128xf32, #tpu.memory_space<vmem>>) target_semaphore(%arg13 : memref<!tpu.dma_semaphore, #tpu.memory_space<semaphore_mem>>)
      %dma_wait3A = arith.constant 0 : i32
      %dma_wait3A_58 = arith.constant 0 : i32
      %dma_wait3A_59 = arith.constant 0 : i32
      %dma_wait3A_60 = tpu.memref_slice %arg9[%dma_wait3A, %dma_wait3A_58, %dma_wait3A_59] : memref<2x128x128xf32, #tpu.memory_space<vmem>> -> memref<1x128x128xf32, #tpu.memory_space<vmem>>
      %dma_wait3A_61 = tpu.memref_squeeze %dma_wait3A_60 : memref<1x128x128xf32, #tpu.memory_space<vmem>> -> memref<128x128xf32, #tpu.memory_space<vmem>>
      %dma_wait3A_62 = arith.constant 0 : i32
      %dma_wait3A_63 = tpu.memref_slice %arg2[%multiple_of3A_23, %dma_wait3A_62] : memref<163840x128xf32, #tpu.memory_space<hbm>> -> memref<128x128xf32, #tpu.memory_space<hbm>>
      %dma_wait3A_64 = arith.constant 0 : i32
      %dma_wait3A_65 = arith.constant 0 : i32
      %dma_wait3A_66 = tpu.memref_slice %arg9[%dma_wait3A, %dma_wait3A_64, %dma_wait3A_65] : memref<2x128x128xf32, #tpu.memory_space<vmem>> -> memref<1x128x128xf32, #tpu.memory_space<vmem>>
      %dma_wait3A_67 = tpu.memref_squeeze %dma_wait3A_66 : memref<1x128x128xf32, #tpu.memory_space<vmem>> -> memref<128x128xf32, #tpu.memory_space<vmem>>
      %dma_wait3A_68 = arith.constant 0 : i32
      %dma_wait3A_69 = tpu.memref_slice %arg2[%multiple_of3A_23, %dma_wait3A_68] : memref<163840x128xf32, #tpu.memory_space<hbm>> -> memref<128x128xf32, #tpu.memory_space<hbm>>
      tpu.wait_dma2 semaphore(%arg12 : memref<!tpu.dma_semaphore, #tpu.memory_space<semaphore_mem>>) src(%dma_wait3A_69 : memref<128x128xf32, #tpu.memory_space<hbm>>) dst(%dma_wait3A_67 : memref<128x128xf32, #tpu.memory_space<vmem>>)
      %run_scoped3A_70 = arith.constant 0 : i32
      %run_scoped3A_71 = arith.constant 0 : i32
      "tpu.region"() ({
        %run_scoped3A_181 = tpu.sem_alloc : memref<!tpu.dma_semaphore, #tpu.memory_space<semaphore_mem>>
        %dma_start3A_182 = arith.constant 0 : i32
        %dma_start3A_183 = arith.constant 0 : i32
        %dma_start3A_184 = tpu.memref_slice %arg9[%run_scoped3A_70, %dma_start3A_182, %dma_start3A_183] : memref<2x128x128xf32, #tpu.memory_space<vmem>> -> memref<1x128x128xf32, #tpu.memory_space<vmem>>
        %dma_start3A_185 = tpu.memref_squeeze %dma_start3A_184 : memref<1x128x128xf32, #tpu.memory_space<vmem>> -> memref<128x128xf32, #tpu.memory_space<vmem>>
        %dma_start3A_186 = arith.constant 0 : i32
        %dma_start3A_187 = tpu.memref_slice %arg8[%run_scoped3A_71, %dma_start3A_186] : memref<2x128xi32, #tpu.memory_space<vmem>> -> memref<1x128xi32, #tpu.memory_space<vmem>>
        %dma_start3A_188 = tpu.memref_squeeze %dma_start3A_187 : memref<1x128xi32, #tpu.memory_space<vmem>> -> memref<128xi32, #tpu.memory_space<vmem>>
        %dma_start3A_189 = arith.constant 0 : i32
        %dma_start3A_190 = arith.constant 0 : i32
        %dma_start3A_191 = tpu.memref_slice %arg11[%dma_start3A_189, %dma_start3A_190] : memref<10240x128xf32, #tpu.memory_space<vmem_shared>> -> memref<10240x128xf32, #tpu.memory_space<vmem_shared>>
        tpu.enqueue_indirect_dma source(%dma_start3A_185 : memref<128x128xf32, #tpu.memory_space<vmem>>) target(%dma_start3A_191 : memref<10240x128xf32, #tpu.memory_space<vmem_shared>>) offsets(%dma_start3A_188 : memref<128xi32, #tpu.memory_space<vmem>>) semaphore(%run_scoped3A_181 : memref<!tpu.dma_semaphore, #tpu.memory_space<semaphore_mem>>) {add = true}
        %dma_wait3A_192 = arith.constant 0 : i32
        %dma_wait3A_193 = arith.constant 0 : i32
        %dma_wait3A_194 = tpu.memref_slice %arg9[%run_scoped3A_70, %dma_wait3A_192, %dma_wait3A_193] : memref<2x128x128xf32, #tpu.memory_space<vmem>> -> memref<1x128x128xf32, #tpu.memory_space<vmem>>
        %dma_wait3A_195 = tpu.memref_squeeze %dma_wait3A_194 : memref<1x128x128xf32, #tpu.memory_space<vmem>> -> memref<128x128xf32, #tpu.memory_space<vmem>>
        %dma_wait3A_196 = arith.constant 0 : i32
        %dma_wait3A_197 = tpu.memref_slice %arg8[%run_scoped3A_71, %dma_wait3A_196] : memref<2x128xi32, #tpu.memory_space<vmem>> -> memref<1x128xi32, #tpu.memory_space<vmem>>
        %dma_wait3A_198 = tpu.memref_squeeze %dma_wait3A_197 : memref<1x128xi32, #tpu.memory_space<vmem>> -> memref<128xi32, #tpu.memory_space<vmem>>
        %dma_wait3A_199 = arith.constant 0 : i32
        %dma_wait3A_200 = arith.constant 0 : i32
        %dma_wait3A_201 = tpu.memref_slice %arg11[%dma_wait3A_199, %dma_wait3A_200] : memref<10240x128xf32, #tpu.memory_space<vmem_shared>> -> memref<10240x128xf32, #tpu.memory_space<vmem_shared>>
        tpu.wait_indirect_dma semaphore(%run_scoped3A_181 : memref<!tpu.dma_semaphore, #tpu.memory_space<semaphore_mem>>) src(%dma_wait3A_195 : memref<128x128xf32, #tpu.memory_space<vmem>>) dst(%dma_wait3A_201 : memref<10240x128xf32, #tpu.memory_space<vmem_shared>>)
        tpu.yield
      }) : () -> ()
      %get3A = arith.constant 0 : i32
      %get3A_72 = arith.index_cast %get3A : i32 to index
      %get3A_73 = arith.constant 0 : index
      %get3A_74 = tpu.vector_load %arg8[%get3A_72, %get3A_73] {strides = array<i32>} : memref<2x128xi32, #tpu.memory_space<vmem>>, vector<16xi32>,
      %broadcast_in_dim3A = arith.constant 1.000000e+00 : f32
      %broadcast_in_dim3A_75 = vector.broadcast %broadcast_in_dim3A : f32 to vector<16xf32>
      tpu.vector_store_idx %arg10[%get3A_74], %broadcast_in_dim3A_75 {add = true} : memref<10240xf32, #tpu.memory_space<vmem>>[vector<16xi32>], vector<16xf32>,
      %get3A_76 = arith.constant 0 : i32
      %get3A_77 = arith.index_cast %get3A_76 : i32 to index
      %get3A_78 = arith.constant 16 : index
      %get3A_79 = tpu.vector_load %arg8[%get3A_77, %get3A_78] {strides = array<i32>} : memref<2x128xi32, #tpu.memory_space<vmem>>, vector<16xi32>,
      %broadcast_in_dim3A_80 = arith.constant 1.000000e+00 : f32
      %broadcast_in_dim3A_81 = vector.broadcast %broadcast_in_dim3A_80 : f32 to vector<16xf32>
      tpu.vector_store_idx %arg10[%get3A_79], %broadcast_in_dim3A_81 {add = true} : memref<10240xf32, #tpu.memory_space<vmem>>[vector<16xi32>], vector<16xf32>,
      %get3A_82 = arith.constant 0 : i32
      %get3A_83 = arith.index_cast %get3A_82 : i32 to index
      %get3A_84 = arith.constant 32 : index
      %get3A_85 = tpu.vector_load %arg8[%get3A_83, %get3A_84] {strides = array<i32>} : memref<2x128xi32, #tpu.memory_space<vmem>>, vector<16xi32>,
      %broadcast_in_dim3A_86 = arith.constant 1.000000e+00 : f32
      %broadcast_in_dim3A_87 = vector.broadcast %broadcast_in_dim3A_86 : f32 to vector<16xf32>
      tpu.vector_store_idx %arg10[%get3A_85], %broadcast_in_dim3A_87 {add = true} : memref<10240xf32, #tpu.memory_space<vmem>>[vector<16xi32>], vector<16xf32>,
      %get3A_88 = arith.constant 0 : i32
      %get3A_89 = arith.index_cast %get3A_88 : i32 to index
      %get3A_90 = arith.constant 48 : index
      %get3A_91 = tpu.vector_load %arg8[%get3A_89, %get3A_90] {strides = array<i32>} : memref<2x128xi32, #tpu.memory_space<vmem>>, vector<16xi32>,
      %broadcast_in_dim3A_92 = arith.constant 1.000000e+00 : f32
      %broadcast_in_dim3A_93 = vector.broadcast %broadcast_in_dim3A_92 : f32 to vector<16xf32>
      tpu.vector_store_idx %arg10[%get3A_91], %broadcast_in_dim3A_93 {add = true} : memref<10240xf32, #tpu.memory_space<vmem>>[vector<16xi32>], vector<16xf32>,
      %get3A_94 = arith.constant 0 : i32
      %get3A_95 = arith.index_cast %get3A_94 : i32 to index
      %get3A_96 = arith.constant 64 : index
      %get3A_97 = tpu.vector_load %arg8[%get3A_95, %get3A_96] {strides = array<i32>} : memref<2x128xi32, #tpu.memory_space<vmem>>, vector<16xi32>,
      %broadcast_in_dim3A_98 = arith.constant 1.000000e+00 : f32
      %broadcast_in_dim3A_99 = vector.broadcast %broadcast_in_dim3A_98 : f32 to vector<16xf32>
      tpu.vector_store_idx %arg10[%get3A_97], %broadcast_in_dim3A_99 {add = true} : memref<10240xf32, #tpu.memory_space<vmem>>[vector<16xi32>], vector<16xf32>,
      %get3A_100 = arith.constant 0 : i32
      %get3A_101 = arith.index_cast %get3A_100 : i32 to index
      %get3A_102 = arith.constant 80 : index
      %get3A_103 = tpu.vector_load %arg8[%get3A_101, %get3A_102] {strides = array<i32>} : memref<2x128xi32, #tpu.memory_space<vmem>>, vector<16xi32>,
      %broadcast_in_dim3A_104 = arith.constant 1.000000e+00 : f32
      %broadcast_in_dim3A_105 = vector.broadcast %broadcast_in_dim3A_104 : f32 to vector<16xf32>
      tpu.vector_store_idx %arg10[%get3A_103], %broadcast_in_dim3A_105 {add = true} : memref<10240xf32, #tpu.memory_space<vmem>>[vector<16xi32>], vector<16xf32>,
      %get3A_106 = arith.constant 0 : i32
      %get3A_107 = arith.index_cast %get3A_106 : i32 to index
      %get3A_108 = arith.constant 96 : index
      %get3A_109 = tpu.vector_load %arg8[%get3A_107, %get3A_108] {strides = array<i32>} : memref<2x128xi32, #tpu.memory_space<vmem>>, vector<16xi32>,
      %broadcast_in_dim3A_110 = arith.constant 1.000000e+00 : f32
      %broadcast_in_dim3A_111 = vector.broadcast %broadcast_in_dim3A_110 : f32 to vector<16xf32>
      tpu.vector_store_idx %arg10[%get3A_109], %broadcast_in_dim3A_111 {add = true} : memref<10240xf32, #tpu.memory_space<vmem>>[vector<16xi32>], vector<16xf32>,
      %get3A_112 = arith.constant 0 : i32
      %get3A_113 = arith.index_cast %get3A_112 : i32 to index
      %get3A_114 = arith.constant 112 : index
      %get3A_115 = tpu.vector_load %arg8[%get3A_113, %get3A_114] {strides = array<i32>} : memref<2x128xi32, #tpu.memory_space<vmem>>, vector<16xi32>,
      %broadcast_in_dim3A_116 = arith.constant 1.000000e+00 : f32
      %broadcast_in_dim3A_117 = vector.broadcast %broadcast_in_dim3A_116 : f32 to vector<16xf32>
      tpu.vector_store_idx %arg10[%get3A_115], %broadcast_in_dim3A_117 {add = true} : memref<10240xf32, #tpu.memory_space<vmem>>[vector<16xi32>], vector<16xf32>,
      %dma_wait3A_118 = arith.constant 1 : i32
      %dma_wait3A_119 = arith.constant 0 : i32
      %dma_wait3A_120 = arith.constant 0 : i32
      %dma_wait3A_121 = tpu.memref_slice %arg9[%dma_wait3A_118, %dma_wait3A_119, %dma_wait3A_120] : memref<2x128x128xf32, #tpu.memory_space<vmem>> -> memref<1x128x128xf32, #tpu.memory_space<vmem>>
      %dma_wait3A_122 = tpu.memref_squeeze %dma_wait3A_121 : memref<1x128x128xf32, #tpu.memory_space<vmem>> -> memref<128x128xf32, #tpu.memory_space<vmem>>
      %dma_wait3A_123 = arith.constant 0 : i32
      %dma_wait3A_124 = tpu.memref_slice %arg2[%multiple_of3A_31, %dma_wait3A_123] : memref<163840x128xf32, #tpu.memory_space<hbm>> -> memref<128x128xf32, #tpu.memory_space<hbm>>
      %dma_wait3A_125 = arith.constant 0 : i32
      %dma_wait3A_126 = arith.constant 0 : i32
      %dma_wait3A_127 = tpu.memref_slice %arg9[%dma_wait3A_118, %dma_wait3A_125, %dma_wait3A_126] : memref<2x128x128xf32, #tpu.memory_space<vmem>> -> memref<1x128x128xf32, #tpu.memory_space<vmem>>
      %dma_wait3A_128 = tpu.memref_squeeze %dma_wait3A_127 : memref<1x128x128xf32, #tpu.memory_space<vmem>> -> memref<128x128xf32, #tpu.memory_space<vmem>>
      %dma_wait3A_129 = arith.constant 0 : i32
      %dma_wait3A_130 = tpu.memref_slice %arg2[%multiple_of3A_31, %dma_wait3A_129] : memref<163840x128xf32, #tpu.memory_space<hbm>> -> memref<128x128xf32, #tpu.memory_space<hbm>>
      tpu.wait_dma2 semaphore(%arg13 : memref<!tpu.dma_semaphore, #tpu.memory_space<semaphore_mem>>) src(%dma_wait3A_130 : memref<128x128xf32, #tpu.memory_space<hbm>>) dst(%dma_wait3A_128 : memref<128x128xf32, #tpu.memory_space<vmem>>)
      %run_scoped3A_131 = arith.constant 1 : i32
      %run_scoped3A_132 = arith.constant 1 : i32
      "tpu.region"() ({
        %run_scoped3A_181 = tpu.sem_alloc : memref<!tpu.dma_semaphore, #tpu.memory_space<semaphore_mem>>
        %dma_start3A_182 = arith.constant 0 : i32
        %dma_start3A_183 = arith.constant 0 : i32
        %dma_start3A_184 = tpu.memref_slice %arg9[%run_scoped3A_131, %dma_start3A_182, %dma_start3A_183] : memref<2x128x128xf32, #tpu.memory_space<vmem>> -> memref<1x128x128xf32, #tpu.memory_space<vmem>>
        %dma_start3A_185 = tpu.memref_squeeze %dma_start3A_184 : memref<1x128x128xf32, #tpu.memory_space<vmem>> -> memref<128x128xf32, #tpu.memory_space<vmem>>
        %dma_start3A_186 = arith.constant 0 : i32
        %dma_start3A_187 = tpu.memref_slice %arg8[%run_scoped3A_132, %dma_start3A_186] : memref<2x128xi32, #tpu.memory_space<vmem>> -> memref<1x128xi32, #tpu.memory_space<vmem>>
        %dma_start3A_188 = tpu.memref_squeeze %dma_start3A_187 : memref<1x128xi32, #tpu.memory_space<vmem>> -> memref<128xi32, #tpu.memory_space<vmem>>
        %dma_start3A_189 = arith.constant 0 : i32
        %dma_start3A_190 = arith.constant 0 : i32
        %dma_start3A_191 = tpu.memref_slice %arg11[%dma_start3A_189, %dma_start3A_190] : memref<10240x128xf32, #tpu.memory_space<vmem_shared>> -> memref<10240x128xf32, #tpu.memory_space<vmem_shared>>
        tpu.enqueue_indirect_dma source(%dma_start3A_185 : memref<128x128xf32, #tpu.memory_space<vmem>>) target(%dma_start3A_191 : memref<10240x128xf32, #tpu.memory_space<vmem_shared>>) offsets(%dma_start3A_188 : memref<128xi32, #tpu.memory_space<vmem>>) semaphore(%run_scoped3A_181 : memref<!tpu.dma_semaphore, #tpu.memory_space<semaphore_mem>>) {add = true}
        %dma_wait3A_192 = arith.constant 0 : i32
        %dma_wait3A_193 = arith.constant 0 : i32
        %dma_wait3A_194 = tpu.memref_slice %arg9[%run_scoped3A_131, %dma_wait3A_192, %dma_wait3A_193] : memref<2x128x128xf32, #tpu.memory_space<vmem>> -> memref<1x128x128xf32, #tpu.memory_space<vmem>>
        %dma_wait3A_195 = tpu.memref_squeeze %dma_wait3A_194 : memref<1x128x128xf32, #tpu.memory_space<vmem>> -> memref<128x128xf32, #tpu.memory_space<vmem>>
        %dma_wait3A_196 = arith.constant 0 : i32
        %dma_wait3A_197 = tpu.memref_slice %arg8[%run_scoped3A_132, %dma_wait3A_196] : memref<2x128xi32, #tpu.memory_space<vmem>> -> memref<1x128xi32, #tpu.memory_space<vmem>>
        %dma_wait3A_198 = tpu.memref_squeeze %dma_wait3A_197 : memref<1x128xi32, #tpu.memory_space<vmem>> -> memref<128xi32, #tpu.memory_space<vmem>>
        %dma_wait3A_199 = arith.constant 0 : i32
        %dma_wait3A_200 = arith.constant 0 : i32
        %dma_wait3A_201 = tpu.memref_slice %arg11[%dma_wait3A_199, %dma_wait3A_200] : memref<10240x128xf32, #tpu.memory_space<vmem_shared>> -> memref<10240x128xf32, #tpu.memory_space<vmem_shared>>
        tpu.wait_indirect_dma semaphore(%run_scoped3A_181 : memref<!tpu.dma_semaphore, #tpu.memory_space<semaphore_mem>>) src(%dma_wait3A_195 : memref<128x128xf32, #tpu.memory_space<vmem>>) dst(%dma_wait3A_201 : memref<10240x128xf32, #tpu.memory_space<vmem_shared>>)
        tpu.yield
      }) : () -> ()
      %get3A_133 = arith.constant 1 : i32
      %get3A_134 = arith.index_cast %get3A_133 : i32 to index
      %get3A_135 = arith.constant 0 : index
      %get3A_136 = tpu.vector_load %arg8[%get3A_134, %get3A_135] {strides = array<i32>} : memref<2x128xi32, #tpu.memory_space<vmem>>, vector<16xi32>,
      %broadcast_in_dim3A_137 = arith.constant 1.000000e+00 : f32
      %broadcast_in_dim3A_138 = vector.broadcast %broadcast_in_dim3A_137 : f32 to vector<16xf32>
      tpu.vector_store_idx %arg10[%get3A_136], %broadcast_in_dim3A_138 {add = true} : memref<10240xf32, #tpu.memory_space<vmem>>[vector<16xi32>], vector<16xf32>,
      %get3A_139 = arith.constant 1 : i32
      %get3A_140 = arith.index_cast %get3A_139 : i32 to index
      %get3A_141 = arith.constant 16 : index
      %get3A_142 = tpu.vector_load %arg8[%get3A_140, %get3A_141] {strides = array<i32>} : memref<2x128xi32, #tpu.memory_space<vmem>>, vector<16xi32>,
      %broadcast_in_dim3A_143 = arith.constant 1.000000e+00 : f32
      %broadcast_in_dim3A_144 = vector.broadcast %broadcast_in_dim3A_143 : f32 to vector<16xf32>
      tpu.vector_store_idx %arg10[%get3A_142], %broadcast_in_dim3A_144 {add = true} : memref<10240xf32, #tpu.memory_space<vmem>>[vector<16xi32>], vector<16xf32>,
      %get3A_145 = arith.constant 1 : i32
      %get3A_146 = arith.index_cast %get3A_145 : i32 to index
      %get3A_147 = arith.constant 32 : index
      %get3A_148 = tpu.vector_load %arg8[%get3A_146, %get3A_147] {strides = array<i32>} : memref<2x128xi32, #tpu.memory_space<vmem>>, vector<16xi32>,
      %broadcast_in_dim3A_149 = arith.constant 1.000000e+00 : f32
      %broadcast_in_dim3A_150 = vector.broadcast %broadcast_in_dim3A_149 : f32 to vector<16xf32>
      tpu.vector_store_idx %arg10[%get3A_148], %broadcast_in_dim3A_150 {add = true} : memref<10240xf32, #tpu.memory_space<vmem>>[vector<16xi32>], vector<16xf32>,
      %get3A_151 = arith.constant 1 : i32
      %get3A_152 = arith.index_cast %get3A_151 : i32 to index
      %get3A_153 = arith.constant 48 : index
      %get3A_154 = tpu.vector_load %arg8[%get3A_152, %get3A_153] {strides = array<i32>} : memref<2x128xi32, #tpu.memory_space<vmem>>, vector<16xi32>,
      %broadcast_in_dim3A_155 = arith.constant 1.000000e+00 : f32
      %broadcast_in_dim3A_156 = vector.broadcast %broadcast_in_dim3A_155 : f32 to vector<16xf32>
      tpu.vector_store_idx %arg10[%get3A_154], %broadcast_in_dim3A_156 {add = true} : memref<10240xf32, #tpu.memory_space<vmem>>[vector<16xi32>], vector<16xf32>,
      %get3A_157 = arith.constant 1 : i32
      %get3A_158 = arith.index_cast %get3A_157 : i32 to index
      %get3A_159 = arith.constant 64 : index
      %get3A_160 = tpu.vector_load %arg8[%get3A_158, %get3A_159] {strides = array<i32>} : memref<2x128xi32, #tpu.memory_space<vmem>>, vector<16xi32>,
      %broadcast_in_dim3A_161 = arith.constant 1.000000e+00 : f32
      %broadcast_in_dim3A_162 = vector.broadcast %broadcast_in_dim3A_161 : f32 to vector<16xf32>
      tpu.vector_store_idx %arg10[%get3A_160], %broadcast_in_dim3A_162 {add = true} : memref<10240xf32, #tpu.memory_space<vmem>>[vector<16xi32>], vector<16xf32>,
      %get3A_163 = arith.constant 1 : i32
      %get3A_164 = arith.index_cast %get3A_163 : i32 to index
      %get3A_165 = arith.constant 80 : index
      %get3A_166 = tpu.vector_load %arg8[%get3A_164, %get3A_165] {strides = array<i32>} : memref<2x128xi32, #tpu.memory_space<vmem>>, vector<16xi32>,
      %broadcast_in_dim3A_167 = arith.constant 1.000000e+00 : f32
      %broadcast_in_dim3A_168 = vector.broadcast %broadcast_in_dim3A_167 : f32 to vector<16xf32>
      tpu.vector_store_idx %arg10[%get3A_166], %broadcast_in_dim3A_168 {add = true} : memref<10240xf32, #tpu.memory_space<vmem>>[vector<16xi32>], vector<16xf32>,
      %get3A_169 = arith.constant 1 : i32
      %get3A_170 = arith.index_cast %get3A_169 : i32 to index
      %get3A_171 = arith.constant 96 : index
      %get3A_172 = tpu.vector_load %arg8[%get3A_170, %get3A_171] {strides = array<i32>} : memref<2x128xi32, #tpu.memory_space<vmem>>, vector<16xi32>,
      %broadcast_in_dim3A_173 = arith.constant 1.000000e+00 : f32
      %broadcast_in_dim3A_174 = vector.broadcast %broadcast_in_dim3A_173 : f32 to vector<16xf32>
      tpu.vector_store_idx %arg10[%get3A_172], %broadcast_in_dim3A_174 {add = true} : memref<10240xf32, #tpu.memory_space<vmem>>[vector<16xi32>], vector<16xf32>,
      %get3A_175 = arith.constant 1 : i32
      %get3A_176 = arith.index_cast %get3A_175 : i32 to index
      %get3A_177 = arith.constant 112 : index
      %get3A_178 = tpu.vector_load %arg8[%get3A_176, %get3A_177] {strides = array<i32>} : memref<2x128xi32, #tpu.memory_space<vmem>>, vector<16xi32>,
      %broadcast_in_dim3A_179 = arith.constant 1.000000e+00 : f32
      %broadcast_in_dim3A_180 = vector.broadcast %broadcast_in_dim3A_179 : f32 to vector<16xf32>
      tpu.vector_store_idx %arg10[%get3A_178], %broadcast_in_dim3A_180 {add = true} : memref<10240xf32, #tpu.memory_space<vmem>>[vector<16xi32>], vector<16xf32>,
    }
    %scan3A_9 = arith.constant 20 : i32
    %barrier3A_10 = arith.constant 0 : index
    tpu.barrier barrier_id(%barrier3A_10)
    %mul3A_11 = arith.constant 10240 : i32
    %mul3A_12 = arith.muli %arg0, %mul3A_11 : i32
    %add3A_13 = arith.addi %mul3A_12, %mul3A_2 : i32
    %multiple_of3A = tpu.assume_multiple %add3A_13, 8 : i32
    "tpu.region"() ({
      %run_scoped3A = tpu.sem_alloc : memref<!tpu.dma_semaphore, #tpu.memory_space<semaphore_mem>>
      %dma_start3A = arith.constant 0 : i32
      %dma_start3A_17 = tpu.memref_slice %arg6[%multiple_of3A, %dma_start3A] : memref<20480x128xf32, #tpu.memory_space<hbm>> -> memref<640x128xf32, #tpu.memory_space<hbm>>
      %dma_start3A_18 = arith.constant 0 : i32
      %dma_start3A_19 = tpu.memref_slice %arg11[%mul3A_2, %dma_start3A_18] : memref<10240x128xf32, #tpu.memory_space<vmem_shared>> -> memref<640x128xf32, #tpu.memory_space<vmem_shared>>
      tpu.enqueue_dma source(%dma_start3A_19 : memref<640x128xf32, #tpu.memory_space<vmem_shared>>) target(%dma_start3A_17 : memref<640x128xf32, #tpu.memory_space<hbm>>) target_semaphore(%run_scoped3A : memref<!tpu.dma_semaphore, #tpu.memory_space<semaphore_mem>>)
      %dma_wait3A = arith.constant 0 : i32
      %dma_wait3A_20 = tpu.memref_slice %arg6[%multiple_of3A, %dma_wait3A] : memref<20480x128xf32, #tpu.memory_space<hbm>> -> memref<640x128xf32, #tpu.memory_space<hbm>>
      %dma_wait3A_21 = arith.constant 0 : i32
      %dma_wait3A_22 = tpu.memref_slice %arg11[%mul3A_2, %dma_wait3A_21] : memref<10240x128xf32, #tpu.memory_space<vmem_shared>> -> memref<640x128xf32, #tpu.memory_space<vmem_shared>>
      tpu.wait_dma2 semaphore(%run_scoped3A : memref<!tpu.dma_semaphore, #tpu.memory_space<semaphore_mem>>) src(%dma_wait3A_22 : memref<640x128xf32, #tpu.memory_space<vmem_shared>>) dst(%dma_wait3A_20 : memref<640x128xf32, #tpu.memory_space<hbm>>)
      tpu.yield
    }) : () -> ()
    %mul3A_14 = arith.constant 10240 : i32
    %mul3A_15 = arith.muli %add3A, %mul3A_14 : i32
    %multiple_of3A_16 = tpu.assume_multiple %mul3A_15, 8 : i32
    "tpu.region"() ({
      %run_scoped3A = tpu.sem_alloc : memref<!tpu.dma_semaphore, #tpu.memory_space<semaphore_mem>>
      %dma_start3A = tpu.memref_slice %arg7[%multiple_of3A_16] : memref<327680xf32, #tpu.memory_space<hbm>> -> memref<10240xf32, #tpu.memory_space<hbm>>
      %dma_start3A_17 = tpu.memref_slice %arg7[%multiple_of3A_16] : memref<327680xf32, #tpu.memory_space<hbm>> -> memref<10240xf32, #tpu.memory_space<hbm>>
      tpu.enqueue_dma source(%arg10 : memref<10240xf32, #tpu.memory_space<vmem>>) target(%dma_start3A_17 : memref<10240xf32, #tpu.memory_space<hbm>>) target_semaphore(%run_scoped3A : memref<!tpu.dma_semaphore, #tpu.memory_space<semaphore_mem>>)
      %dma_wait3A = tpu.memref_slice %arg7[%multiple_of3A_16] : memref<327680xf32, #tpu.memory_space<hbm>> -> memref<10240xf32, #tpu.memory_space<hbm>>
      %dma_wait3A_18 = tpu.memref_slice %arg7[%multiple_of3A_16] : memref<327680xf32, #tpu.memory_space<hbm>> -> memref<10240xf32, #tpu.memory_space<hbm>>
      tpu.wait_dma2 semaphore(%run_scoped3A : memref<!tpu.dma_semaphore, #tpu.memory_space<semaphore_mem>>) src(%arg10 : memref<10240xf32, #tpu.memory_space<vmem>>) dst(%dma_wait3A_18 : memref<10240xf32, #tpu.memory_space<hbm>>)
      tpu.yield
    }) : () -> ()
    return
  }
}

#map = affine_map<(d0, d1) -> (0, 0)>
#map1 = affine_map<(d0, d1) -> (0)>
module attributes {stable_mosaic.version = 14 : i64} {
  func.func @_sc_gather(%arg0: i32, %arg1: i32, %arg2: memref<10000x128xf32, #tpu.memory_space<hbm>>, %arg3: memref<163840xi32, #tpu.memory_space<hbm>>, %arg4: memref<163840xi32, #tpu.memory_space<hbm>>, %arg5: memref<163840x128xf32, #tpu.memory_space<hbm>>, %arg6: memref<163840x128xf32, #tpu.memory_space<hbm>>, %arg7: memref<7424xi32, #tpu.memory_space<vmem>>, %arg8: memref<7424xi32, #tpu.memory_space<vmem>>, %arg9: memref<2x128x128xf32, #tpu.memory_space<vmem>>, %arg10: memref<2x128x128xf32, #tpu.memory_space<vmem>>, %arg11: memref<!tpu.dma_semaphore, #tpu.memory_space<semaphore_mem>>, %arg12: memref<!tpu.dma_semaphore, #tpu.memory_space<semaphore_mem>>, %arg13: memref<!tpu.dma_semaphore, #tpu.memory_space<semaphore_mem>>, %arg14: memref<!tpu.dma_semaphore, #tpu.memory_space<semaphore_mem>>) attributes {dimension_semantics = [#tpu.dimension_semantics<core_parallel>, #tpu.dimension_semantics<subcore_parallel>], iteration_bounds = array<i64: 2, 16>, scalar_prefetch = 0 : i64, scratch_operands = 8 : i64, tpu.core_type = #tpu.core_type<sc_vector_subcore>, window_params = [{transform_indices = #map}, {transform_indices = #map1}, {transform_indices = #map1}, {transform_indices = #map}, {transform_indices = #map}]} {
    %eq3A = arith.constant 0 : i32
    %eq3A_0 = arith.cmpi eq, %arg0, %eq3A : i32
    %jit3A = arith.constant 58 : i32
    %jit3A_1 = arith.constant 22 : i32
    %select_n3A = arith.select %eq3A_0, %jit3A, %jit3A_1 : i32
    %eq3A_2 = arith.constant 0 : i32
    %eq3A_3 = arith.cmpi eq, %arg0, %eq3A_2 : i32
    %mul3A = arith.constant 58 : i32
    %mul3A_4 = arith.muli %arg1, %mul3A : i32
    %add3A = arith.constant 352 : i32
    %add3A_5 = arith.addi %add3A, %mul3A_4 : i32
    %mul3A_6 = arith.constant 22 : i32
    %mul3A_7 = arith.muli %arg1, %mul3A_6 : i32
    %select_n3A_8 = arith.select %eq3A_3, %add3A_5, %mul3A_7 : i32
    %mul3A_9 = arith.constant 128 : i32
    %mul3A_10 = arith.muli %select_n3A_8, %mul3A_9 : i32
    %multiple_of3A = tpu.assume_multiple %mul3A_10, 8 : i32
    %mul3A_11 = arith.constant 128 : i32
    %mul3A_12 = arith.muli %select_n3A, %mul3A_11 : i32
    "tpu.region"() ({
      %run_scoped3A = tpu.sem_alloc : memref<!tpu.dma_semaphore, #tpu.memory_space<semaphore_mem>>
      %dma_start3A = tpu.memref_slice %arg3[%multiple_of3A] : memref<163840xi32, #tpu.memory_space<hbm>> -> memref<7424xi32, #tpu.memory_space<hbm>>
      %dma_start3A_40 = tpu.memref_slice %arg3[%multiple_of3A] : memref<163840xi32, #tpu.memory_space<hbm>> -> memref<7424xi32, #tpu.memory_space<hbm>>
      tpu.enqueue_dma source(%dma_start3A_40 : memref<7424xi32, #tpu.memory_space<hbm>>) target(%arg7 : memref<7424xi32, #tpu.memory_space<vmem>>) target_semaphore(%run_scoped3A : memref<!tpu.dma_semaphore, #tpu.memory_space<semaphore_mem>>)
      %dma_wait3A = tpu.memref_slice %arg3[%multiple_of3A] : memref<163840xi32, #tpu.memory_space<hbm>> -> memref<7424xi32, #tpu.memory_space<hbm>>
      %dma_wait3A_41 = tpu.memref_slice %arg3[%multiple_of3A] : memref<163840xi32, #tpu.memory_space<hbm>> -> memref<7424xi32, #tpu.memory_space<hbm>>
      tpu.wait_dma2 semaphore(%run_scoped3A : memref<!tpu.dma_semaphore, #tpu.memory_space<semaphore_mem>>) src(%dma_wait3A_41 : memref<7424xi32, #tpu.memory_space<hbm>>) dst(%arg7 : memref<7424xi32, #tpu.memory_space<vmem>>)
      tpu.yield
    }) : () -> ()
    "tpu.region"() ({
      %run_scoped3A = tpu.sem_alloc : memref<!tpu.dma_semaphore, #tpu.memory_space<semaphore_mem>>
      %dma_start3A = tpu.memref_slice %arg4[%multiple_of3A] : memref<163840xi32, #tpu.memory_space<hbm>> -> memref<7424xi32, #tpu.memory_space<hbm>>
      %dma_start3A_40 = tpu.memref_slice %arg4[%multiple_of3A] : memref<163840xi32, #tpu.memory_space<hbm>> -> memref<7424xi32, #tpu.memory_space<hbm>>
      tpu.enqueue_dma source(%dma_start3A_40 : memref<7424xi32, #tpu.memory_space<hbm>>) target(%arg8 : memref<7424xi32, #tpu.memory_space<vmem>>) target_semaphore(%run_scoped3A : memref<!tpu.dma_semaphore, #tpu.memory_space<semaphore_mem>>)
      %dma_wait3A = tpu.memref_slice %arg4[%multiple_of3A] : memref<163840xi32, #tpu.memory_space<hbm>> -> memref<7424xi32, #tpu.memory_space<hbm>>
      %dma_wait3A_41 = tpu.memref_slice %arg4[%multiple_of3A] : memref<163840xi32, #tpu.memory_space<hbm>> -> memref<7424xi32, #tpu.memory_space<hbm>>
      tpu.wait_dma2 semaphore(%run_scoped3A : memref<!tpu.dma_semaphore, #tpu.memory_space<semaphore_mem>>) src(%dma_wait3A_41 : memref<7424xi32, #tpu.memory_space<hbm>>) dst(%arg8 : memref<7424xi32, #tpu.memory_space<vmem>>)
      tpu.yield
    }) : () -> ()
    %jit3A_13 = arith.constant 2 : i32
    %div3A = arith.divsi %select_n3A, %jit3A_13 : i32
    %sign3A = arith.constant 0 : i32
    %sign3A_14 = arith.cmpi sgt, %select_n3A, %sign3A : i32
    %sign3A_15 = arith.extui %sign3A_14 : i1 to i32
    %sign3A_16 = arith.constant 0 : i32
    %sign3A_17 = arith.cmpi slt, %select_n3A, %sign3A_16 : i32
    %sign3A_18 = arith.extui %sign3A_17 : i1 to i32
    %sign3A_19 = arith.subi %sign3A_15, %sign3A_18 : i32
    %sign3A_20 = arith.constant 0 : i32
    %sign3A_21 = arith.cmpi sgt, %jit3A_13, %sign3A_20 : i32
    %sign3A_22 = arith.extui %sign3A_21 : i1 to i32
    %sign3A_23 = arith.constant 0 : i32
    %sign3A_24 = arith.cmpi slt, %jit3A_13, %sign3A_23 : i32
    %sign3A_25 = arith.extui %sign3A_24 : i1 to i32
    %sign3A_26 = arith.subi %sign3A_22, %sign3A_25 : i32
    %ne3A = arith.cmpi ne, %sign3A_19, %sign3A_26 : i32
    %rem3A = arith.remsi %select_n3A, %jit3A_13 : i32
    %ne3A_27 = arith.constant 0 : i32
    %ne3A_28 = arith.cmpi ne, %rem3A, %ne3A_27 : i32
    %and3A = arith.andi %ne3A, %ne3A_28 : i1
    %sub3A = arith.constant 1 : i32
    %sub3A_29 = arith.subi %div3A, %sub3A : i32
    %select_n3A_30 = arith.select %and3A, %sub3A_29, %div3A : i32
    %while3A = arith.constant 0 : i32
    %while3A_31 = arith.constant 0 : i32
    %while3A_32 = arith.subi %select_n3A_30, %while3A_31 : i32
    %while3A_33 = arith.addi %while3A_31, %while3A_32 : i32
    %while3A_34 = arith.constant 1 : i32
    %while3A_35 = arith.divsi %while3A_32, %while3A_34 : i32
    %while3A_36 = arith.muli %while3A_35, %while3A_34 : i32
    %while3A_37 = arith.addi %while3A_31, %while3A_36 : i32
    %while3A_38 = arith.constant 1 : i32
    scf.for %while3A_40 = %while3A_31 to %while3A_37 step %while3A_38  : i32 {
      %mul3A_41 = arith.constant 2 : i32
      %mul3A_42 = arith.muli %mul3A_41, %while3A_40 : i32
      %mul3A_43 = arith.constant 128 : i32
      %mul3A_44 = arith.muli %mul3A_42, %mul3A_43 : i32
      %add3A_45 = arith.addi %multiple_of3A, %mul3A_44 : i32
      %multiple_of3A_46 = tpu.assume_multiple %add3A_45, 8 : i32
      %mul3A_47 = arith.constant 2 : i32
      %mul3A_48 = arith.muli %mul3A_47, %while3A_40 : i32
      %add3A_49 = arith.constant 1 : i32
      %add3A_50 = arith.addi %mul3A_48, %add3A_49 : i32
      %mul3A_51 = arith.constant 128 : i32
      %mul3A_52 = arith.muli %add3A_50, %mul3A_51 : i32
      %add3A_53 = arith.addi %multiple_of3A, %mul3A_52 : i32
      %multiple_of3A_54 = tpu.assume_multiple %add3A_53, 8 : i32
      %mul3A_55 = arith.constant 2 : i32
      %mul3A_56 = arith.muli %mul3A_55, %while3A_40 : i32
      %mul3A_57 = arith.constant 128 : i32
      %mul3A_58 = arith.muli %mul3A_56, %mul3A_57 : i32
      %mul3A_59 = arith.constant 2 : i32
      %mul3A_60 = arith.muli %mul3A_59, %while3A_40 : i32
      %add3A_61 = arith.constant 1 : i32
      %add3A_62 = arith.addi %mul3A_60, %add3A_61 : i32
      %mul3A_63 = arith.constant 128 : i32
      %mul3A_64 = arith.muli %add3A_62, %mul3A_63 : i32
      %dma_start3A = arith.constant 0 : i32
      %dma_start3A_65 = arith.constant 0 : i32
      %dma_start3A_66 = arith.constant 0 : i32
      %dma_start3A_67 = tpu.memref_slice %arg9[%dma_start3A, %dma_start3A_65, %dma_start3A_66] : memref<2x128x128xf32, #tpu.memory_space<vmem>> -> memref<1x128x128xf32, #tpu.memory_space<vmem>>
      %dma_start3A_68 = tpu.memref_squeeze %dma_start3A_67 : memref<1x128x128xf32, #tpu.memory_space<vmem>> -> memref<128x128xf32, #tpu.memory_space<vmem>>
      %dma_start3A_69 = tpu.memref_slice %arg7[%mul3A_58] : memref<7424xi32, #tpu.memory_space<vmem>> -> memref<128xi32, #tpu.memory_space<vmem>>
      %dma_start3A_70 = arith.constant 0 : i32
      %dma_start3A_71 = arith.constant 0 : i32
      %dma_start3A_72 = tpu.memref_slice %arg2[%dma_start3A_70, %dma_start3A_71] : memref<10000x128xf32, #tpu.memory_space<hbm>> -> memref<10000x128xf32, #tpu.memory_space<hbm>>
      tpu.enqueue_indirect_dma source(%dma_start3A_72 : memref<10000x128xf32, #tpu.memory_space<hbm>>) target(%dma_start3A_68 : memref<128x128xf32, #tpu.memory_space<vmem>>) offsets(%dma_start3A_69 : memref<128xi32, #tpu.memory_space<vmem>>) semaphore(%arg11 : memref<!tpu.dma_semaphore, #tpu.memory_space<semaphore_mem>>)
      %dma_start3A_73 = arith.constant 0 : i32
      %dma_start3A_74 = arith.constant 0 : i32
      %dma_start3A_75 = arith.constant 0 : i32
      %dma_start3A_76 = tpu.memref_slice %arg10[%dma_start3A_73, %dma_start3A_74, %dma_start3A_75] : memref<2x128x128xf32, #tpu.memory_space<vmem>> -> memref<1x128x128xf32, #tpu.memory_space<vmem>>
      %dma_start3A_77 = tpu.memref_squeeze %dma_start3A_76 : memref<1x128x128xf32, #tpu.memory_space<vmem>> -> memref<128x128xf32, #tpu.memory_space<vmem>>
      %dma_start3A_78 = tpu.memref_slice %arg8[%mul3A_58] : memref<7424xi32, #tpu.memory_space<vmem>> -> memref<128xi32, #tpu.memory_space<vmem>>
      %dma_start3A_79 = arith.constant 0 : i32
      %dma_start3A_80 = arith.constant 0 : i32
      %dma_start3A_81 = tpu.memref_slice %arg2[%dma_start3A_79, %dma_start3A_80] : memref<10000x128xf32, #tpu.memory_space<hbm>> -> memref<10000x128xf32, #tpu.memory_space<hbm>>
      tpu.enqueue_indirect_dma source(%dma_start3A_81 : memref<10000x128xf32, #tpu.memory_space<hbm>>) target(%dma_start3A_77 : memref<128x128xf32, #tpu.memory_space<vmem>>) offsets(%dma_start3A_78 : memref<128xi32, #tpu.memory_space<vmem>>) semaphore(%arg13 : memref<!tpu.dma_semaphore, #tpu.memory_space<semaphore_mem>>)
      %dma_start3A_82 = arith.constant 1 : i32
      %dma_start3A_83 = arith.constant 0 : i32
      %dma_start3A_84 = arith.constant 0 : i32
      %dma_start3A_85 = tpu.memref_slice %arg9[%dma_start3A_82, %dma_start3A_83, %dma_start3A_84] : memref<2x128x128xf32, #tpu.memory_space<vmem>> -> memref<1x128x128xf32, #tpu.memory_space<vmem>>
      %dma_start3A_86 = tpu.memref_squeeze %dma_start3A_85 : memref<1x128x128xf32, #tpu.memory_space<vmem>> -> memref<128x128xf32, #tpu.memory_space<vmem>>
      %dma_start3A_87 = tpu.memref_slice %arg7[%mul3A_64] : memref<7424xi32, #tpu.memory_space<vmem>> -> memref<128xi32, #tpu.memory_space<vmem>>
      %dma_start3A_88 = arith.constant 0 : i32
      %dma_start3A_89 = arith.constant 0 : i32
      %dma_start3A_90 = tpu.memref_slice %arg2[%dma_start3A_88, %dma_start3A_89] : memref<10000x128xf32, #tpu.memory_space<hbm>> -> memref<10000x128xf32, #tpu.memory_space<hbm>>
      tpu.enqueue_indirect_dma source(%dma_start3A_90 : memref<10000x128xf32, #tpu.memory_space<hbm>>) target(%dma_start3A_86 : memref<128x128xf32, #tpu.memory_space<vmem>>) offsets(%dma_start3A_87 : memref<128xi32, #tpu.memory_space<vmem>>) semaphore(%arg12 : memref<!tpu.dma_semaphore, #tpu.memory_space<semaphore_mem>>)
      %dma_start3A_91 = arith.constant 1 : i32
      %dma_start3A_92 = arith.constant 0 : i32
      %dma_start3A_93 = arith.constant 0 : i32
      %dma_start3A_94 = tpu.memref_slice %arg10[%dma_start3A_91, %dma_start3A_92, %dma_start3A_93] : memref<2x128x128xf32, #tpu.memory_space<vmem>> -> memref<1x128x128xf32, #tpu.memory_space<vmem>>
      %dma_start3A_95 = tpu.memref_squeeze %dma_start3A_94 : memref<1x128x128xf32, #tpu.memory_space<vmem>> -> memref<128x128xf32, #tpu.memory_space<vmem>>
      %dma_start3A_96 = tpu.memref_slice %arg8[%mul3A_64] : memref<7424xi32, #tpu.memory_space<vmem>> -> memref<128xi32, #tpu.memory_space<vmem>>
      %dma_start3A_97 = arith.constant 0 : i32
      %dma_start3A_98 = arith.constant 0 : i32
      %dma_start3A_99 = tpu.memref_slice %arg2[%dma_start3A_97, %dma_start3A_98] : memref<10000x128xf32, #tpu.memory_space<hbm>> -> memref<10000x128xf32, #tpu.memory_space<hbm>>
      tpu.enqueue_indirect_dma source(%dma_start3A_99 : memref<10000x128xf32, #tpu.memory_space<hbm>>) target(%dma_start3A_95 : memref<128x128xf32, #tpu.memory_space<vmem>>) offsets(%dma_start3A_96 : memref<128xi32, #tpu.memory_space<vmem>>) semaphore(%arg14 : memref<!tpu.dma_semaphore, #tpu.memory_space<semaphore_mem>>)
      %dma_wait3A = arith.constant 0 : i32
      %dma_wait3A_100 = arith.constant 0 : i32
      %dma_wait3A_101 = arith.constant 0 : i32
      %dma_wait3A_102 = tpu.memref_slice %arg9[%dma_wait3A, %dma_wait3A_100, %dma_wait3A_101] : memref<2x128x128xf32, #tpu.memory_space<vmem>> -> memref<1x128x128xf32, #tpu.memory_space<vmem>>
      %dma_wait3A_103 = tpu.memref_squeeze %dma_wait3A_102 : memref<1x128x128xf32, #tpu.memory_space<vmem>> -> memref<128x128xf32, #tpu.memory_space<vmem>>
      %dma_wait3A_104 = tpu.memref_slice %arg7[%mul3A_58] : memref<7424xi32, #tpu.memory_space<vmem>> -> memref<128xi32, #tpu.memory_space<vmem>>
      %dma_wait3A_105 = arith.constant 0 : i32
      %dma_wait3A_106 = arith.constant 0 : i32
      %dma_wait3A_107 = tpu.memref_slice %arg2[%dma_wait3A_105, %dma_wait3A_106] : memref<10000x128xf32, #tpu.memory_space<hbm>> -> memref<10000x128xf32, #tpu.memory_space<hbm>>
      tpu.wait_indirect_dma semaphore(%arg11 : memref<!tpu.dma_semaphore, #tpu.memory_space<semaphore_mem>>) src(%dma_wait3A_107 : memref<10000x128xf32, #tpu.memory_space<hbm>>) dst(%dma_wait3A_103 : memref<128x128xf32, #tpu.memory_space<vmem>>)
      %run_scoped3A = arith.constant 0 : i32
      "tpu.region"() ({
        %run_scoped3A_138 = tpu.sem_alloc : memref<!tpu.dma_semaphore, #tpu.memory_space<semaphore_mem>>
        %dma_start3A_139 = arith.constant 0 : i32
        %dma_start3A_140 = arith.constant 0 : i32
        %dma_start3A_141 = tpu.memref_slice %arg9[%run_scoped3A, %dma_start3A_139, %dma_start3A_140] : memref<2x128x128xf32, #tpu.memory_space<vmem>> -> memref<1x128x128xf32, #tpu.memory_space<vmem>>
        %dma_start3A_142 = tpu.memref_squeeze %dma_start3A_141 : memref<1x128x128xf32, #tpu.memory_space<vmem>> -> memref<128x128xf32, #tpu.memory_space<vmem>>
        %dma_start3A_143 = arith.constant 0 : i32
        %dma_start3A_144 = tpu.memref_slice %arg5[%multiple_of3A_46, %dma_start3A_143] : memref<163840x128xf32, #tpu.memory_space<hbm>> -> memref<128x128xf32, #tpu.memory_space<hbm>>
        %dma_start3A_145 = arith.constant 0 : i32
        %dma_start3A_146 = tpu.memref_slice %arg5[%multiple_of3A_46, %dma_start3A_145] : memref<163840x128xf32, #tpu.memory_space<hbm>> -> memref<128x128xf32, #tpu.memory_space<hbm>>
        %dma_start3A_147 = arith.constant 0 : i32
        %dma_start3A_148 = arith.constant 0 : i32
        %dma_start3A_149 = tpu.memref_slice %arg9[%run_scoped3A, %dma_start3A_147, %dma_start3A_148] : memref<2x128x128xf32, #tpu.memory_space<vmem>> -> memref<1x128x128xf32, #tpu.memory_space<vmem>>
        %dma_start3A_150 = tpu.memref_squeeze %dma_start3A_149 : memref<1x128x128xf32, #tpu.memory_space<vmem>> -> memref<128x128xf32, #tpu.memory_space<vmem>>
        tpu.enqueue_dma source(%dma_start3A_150 : memref<128x128xf32, #tpu.memory_space<vmem>>) target(%dma_start3A_146 : memref<128x128xf32, #tpu.memory_space<hbm>>) target_semaphore(%run_scoped3A_138 : memref<!tpu.dma_semaphore, #tpu.memory_space<semaphore_mem>>)
        %dma_wait3A_151 = arith.constant 0 : i32
        %dma_wait3A_152 = arith.constant 0 : i32
        %dma_wait3A_153 = tpu.memref_slice %arg9[%run_scoped3A, %dma_wait3A_151, %dma_wait3A_152] : memref<2x128x128xf32, #tpu.memory_space<vmem>> -> memref<1x128x128xf32, #tpu.memory_space<vmem>>
        %dma_wait3A_154 = tpu.memref_squeeze %dma_wait3A_153 : memref<1x128x128xf32, #tpu.memory_space<vmem>> -> memref<128x128xf32, #tpu.memory_space<vmem>>
        %dma_wait3A_155 = arith.constant 0 : i32
        %dma_wait3A_156 = tpu.memref_slice %arg5[%multiple_of3A_46, %dma_wait3A_155] : memref<163840x128xf32, #tpu.memory_space<hbm>> -> memref<128x128xf32, #tpu.memory_space<hbm>>
        %dma_wait3A_157 = arith.constant 0 : i32
        %dma_wait3A_158 = tpu.memref_slice %arg5[%multiple_of3A_46, %dma_wait3A_157] : memref<163840x128xf32, #tpu.memory_space<hbm>> -> memref<128x128xf32, #tpu.memory_space<hbm>>
        %dma_wait3A_159 = arith.constant 0 : i32
        %dma_wait3A_160 = arith.constant 0 : i32
        %dma_wait3A_161 = tpu.memref_slice %arg9[%run_scoped3A, %dma_wait3A_159, %dma_wait3A_160] : memref<2x128x128xf32, #tpu.memory_space<vmem>> -> memref<1x128x128xf32, #tpu.memory_space<vmem>>
        %dma_wait3A_162 = tpu.memref_squeeze %dma_wait3A_161 : memref<1x128x128xf32, #tpu.memory_space<vmem>> -> memref<128x128xf32, #tpu.memory_space<vmem>>
        tpu.wait_dma2 semaphore(%run_scoped3A_138 : memref<!tpu.dma_semaphore, #tpu.memory_space<semaphore_mem>>) src(%dma_wait3A_162 : memref<128x128xf32, #tpu.memory_space<vmem>>) dst(%dma_wait3A_158 : memref<128x128xf32, #tpu.memory_space<hbm>>)
        tpu.yield
      }) : () -> ()
      %dma_wait3A_108 = arith.constant 0 : i32
      %dma_wait3A_109 = arith.constant 0 : i32
      %dma_wait3A_110 = arith.constant 0 : i32
      %dma_wait3A_111 = tpu.memref_slice %arg10[%dma_wait3A_108, %dma_wait3A_109, %dma_wait3A_110] : memref<2x128x128xf32, #tpu.memory_space<vmem>> -> memref<1x128x128xf32, #tpu.memory_space<vmem>>
      %dma_wait3A_112 = tpu.memref_squeeze %dma_wait3A_111 : memref<1x128x128xf32, #tpu.memory_space<vmem>> -> memref<128x128xf32, #tpu.memory_space<vmem>>
      %dma_wait3A_113 = tpu.memref_slice %arg8[%mul3A_58] : memref<7424xi32, #tpu.memory_space<vmem>> -> memref<128xi32, #tpu.memory_space<vmem>>
      %dma_wait3A_114 = arith.constant 0 : i32
      %dma_wait3A_115 = arith.constant 0 : i32
      %dma_wait3A_116 = tpu.memref_slice %arg2[%dma_wait3A_114, %dma_wait3A_115] : memref<10000x128xf32, #tpu.memory_space<hbm>> -> memref<10000x128xf32, #tpu.memory_space<hbm>>
      tpu.wait_indirect_dma semaphore(%arg13 : memref<!tpu.dma_semaphore, #tpu.memory_space<semaphore_mem>>) src(%dma_wait3A_116 : memref<10000x128xf32, #tpu.memory_space<hbm>>) dst(%dma_wait3A_112 : memref<128x128xf32, #tpu.memory_space<vmem>>)
      %run_scoped3A_117 = arith.constant 0 : i32
      "tpu.region"() ({
        %run_scoped3A_138 = tpu.sem_alloc : memref<!tpu.dma_semaphore, #tpu.memory_space<semaphore_mem>>
        %dma_start3A_139 = arith.constant 0 : i32
        %dma_start3A_140 = arith.constant 0 : i32
        %dma_start3A_141 = tpu.memref_slice %arg10[%run_scoped3A_117, %dma_start3A_139, %dma_start3A_140] : memref<2x128x128xf32, #tpu.memory_space<vmem>> -> memref<1x128x128xf32, #tpu.memory_space<vmem>>
        %dma_start3A_142 = tpu.memref_squeeze %dma_start3A_141 : memref<1x128x128xf32, #tpu.memory_space<vmem>> -> memref<128x128xf32, #tpu.memory_space<vmem>>
        %dma_start3A_143 = arith.constant 0 : i32
        %dma_start3A_144 = tpu.memref_slice %arg6[%multiple_of3A_46, %dma_start3A_143] : memref<163840x128xf32, #tpu.memory_space<hbm>> -> memref<128x128xf32, #tpu.memory_space<hbm>>
        %dma_start3A_145 = arith.constant 0 : i32
        %dma_start3A_146 = tpu.memref_slice %arg6[%multiple_of3A_46, %dma_start3A_145] : memref<163840x128xf32, #tpu.memory_space<hbm>> -> memref<128x128xf32, #tpu.memory_space<hbm>>
        %dma_start3A_147 = arith.constant 0 : i32
        %dma_start3A_148 = arith.constant 0 : i32
        %dma_start3A_149 = tpu.memref_slice %arg10[%run_scoped3A_117, %dma_start3A_147, %dma_start3A_148] : memref<2x128x128xf32, #tpu.memory_space<vmem>> -> memref<1x128x128xf32, #tpu.memory_space<vmem>>
        %dma_start3A_150 = tpu.memref_squeeze %dma_start3A_149 : memref<1x128x128xf32, #tpu.memory_space<vmem>> -> memref<128x128xf32, #tpu.memory_space<vmem>>
        tpu.enqueue_dma source(%dma_start3A_150 : memref<128x128xf32, #tpu.memory_space<vmem>>) target(%dma_start3A_146 : memref<128x128xf32, #tpu.memory_space<hbm>>) target_semaphore(%run_scoped3A_138 : memref<!tpu.dma_semaphore, #tpu.memory_space<semaphore_mem>>)
        %dma_wait3A_151 = arith.constant 0 : i32
        %dma_wait3A_152 = arith.constant 0 : i32
        %dma_wait3A_153 = tpu.memref_slice %arg10[%run_scoped3A_117, %dma_wait3A_151, %dma_wait3A_152] : memref<2x128x128xf32, #tpu.memory_space<vmem>> -> memref<1x128x128xf32, #tpu.memory_space<vmem>>
        %dma_wait3A_154 = tpu.memref_squeeze %dma_wait3A_153 : memref<1x128x128xf32, #tpu.memory_space<vmem>> -> memref<128x128xf32, #tpu.memory_space<vmem>>
        %dma_wait3A_155 = arith.constant 0 : i32
        %dma_wait3A_156 = tpu.memref_slice %arg6[%multiple_of3A_46, %dma_wait3A_155] : memref<163840x128xf32, #tpu.memory_space<hbm>> -> memref<128x128xf32, #tpu.memory_space<hbm>>
        %dma_wait3A_157 = arith.constant 0 : i32
        %dma_wait3A_158 = tpu.memref_slice %arg6[%multiple_of3A_46, %dma_wait3A_157] : memref<163840x128xf32, #tpu.memory_space<hbm>> -> memref<128x128xf32, #tpu.memory_space<hbm>>
        %dma_wait3A_159 = arith.constant 0 : i32
        %dma_wait3A_160 = arith.constant 0 : i32
        %dma_wait3A_161 = tpu.memref_slice %arg10[%run_scoped3A_117, %dma_wait3A_159, %dma_wait3A_160] : memref<2x128x128xf32, #tpu.memory_space<vmem>> -> memref<1x128x128xf32, #tpu.memory_space<vmem>>
        %dma_wait3A_162 = tpu.memref_squeeze %dma_wait3A_161 : memref<1x128x128xf32, #tpu.memory_space<vmem>> -> memref<128x128xf32, #tpu.memory_space<vmem>>
        tpu.wait_dma2 semaphore(%run_scoped3A_138 : memref<!tpu.dma_semaphore, #tpu.memory_space<semaphore_mem>>) src(%dma_wait3A_162 : memref<128x128xf32, #tpu.memory_space<vmem>>) dst(%dma_wait3A_158 : memref<128x128xf32, #tpu.memory_space<hbm>>)
        tpu.yield
      }) : () -> ()
      %dma_wait3A_118 = arith.constant 1 : i32
      %dma_wait3A_119 = arith.constant 0 : i32
      %dma_wait3A_120 = arith.constant 0 : i32
      %dma_wait3A_121 = tpu.memref_slice %arg9[%dma_wait3A_118, %dma_wait3A_119, %dma_wait3A_120] : memref<2x128x128xf32, #tpu.memory_space<vmem>> -> memref<1x128x128xf32, #tpu.memory_space<vmem>>
      %dma_wait3A_122 = tpu.memref_squeeze %dma_wait3A_121 : memref<1x128x128xf32, #tpu.memory_space<vmem>> -> memref<128x128xf32, #tpu.memory_space<vmem>>
      %dma_wait3A_123 = tpu.memref_slice %arg7[%mul3A_64] : memref<7424xi32, #tpu.memory_space<vmem>> -> memref<128xi32, #tpu.memory_space<vmem>>
      %dma_wait3A_124 = arith.constant 0 : i32
      %dma_wait3A_125 = arith.constant 0 : i32
      %dma_wait3A_126 = tpu.memref_slice %arg2[%dma_wait3A_124, %dma_wait3A_125] : memref<10000x128xf32, #tpu.memory_space<hbm>> -> memref<10000x128xf32, #tpu.memory_space<hbm>>
      tpu.wait_indirect_dma semaphore(%arg12 : memref<!tpu.dma_semaphore, #tpu.memory_space<semaphore_mem>>) src(%dma_wait3A_126 : memref<10000x128xf32, #tpu.memory_space<hbm>>) dst(%dma_wait3A_122 : memref<128x128xf32, #tpu.memory_space<vmem>>)
      %run_scoped3A_127 = arith.constant 1 : i32
      "tpu.region"() ({
        %run_scoped3A_138 = tpu.sem_alloc : memref<!tpu.dma_semaphore, #tpu.memory_space<semaphore_mem>>
        %dma_start3A_139 = arith.constant 0 : i32
        %dma_start3A_140 = arith.constant 0 : i32
        %dma_start3A_141 = tpu.memref_slice %arg9[%run_scoped3A_127, %dma_start3A_139, %dma_start3A_140] : memref<2x128x128xf32, #tpu.memory_space<vmem>> -> memref<1x128x128xf32, #tpu.memory_space<vmem>>
        %dma_start3A_142 = tpu.memref_squeeze %dma_start3A_141 : memref<1x128x128xf32, #tpu.memory_space<vmem>> -> memref<128x128xf32, #tpu.memory_space<vmem>>
        %dma_start3A_143 = arith.constant 0 : i32
        %dma_start3A_144 = tpu.memref_slice %arg5[%multiple_of3A_54, %dma_start3A_143] : memref<163840x128xf32, #tpu.memory_space<hbm>> -> memref<128x128xf32, #tpu.memory_space<hbm>>
        %dma_start3A_145 = arith.constant 0 : i32
        %dma_start3A_146 = tpu.memref_slice %arg5[%multiple_of3A_54, %dma_start3A_145] : memref<163840x128xf32, #tpu.memory_space<hbm>> -> memref<128x128xf32, #tpu.memory_space<hbm>>
        %dma_start3A_147 = arith.constant 0 : i32
        %dma_start3A_148 = arith.constant 0 : i32
        %dma_start3A_149 = tpu.memref_slice %arg9[%run_scoped3A_127, %dma_start3A_147, %dma_start3A_148] : memref<2x128x128xf32, #tpu.memory_space<vmem>> -> memref<1x128x128xf32, #tpu.memory_space<vmem>>
        %dma_start3A_150 = tpu.memref_squeeze %dma_start3A_149 : memref<1x128x128xf32, #tpu.memory_space<vmem>> -> memref<128x128xf32, #tpu.memory_space<vmem>>
        tpu.enqueue_dma source(%dma_start3A_150 : memref<128x128xf32, #tpu.memory_space<vmem>>) target(%dma_start3A_146 : memref<128x128xf32, #tpu.memory_space<hbm>>) target_semaphore(%run_scoped3A_138 : memref<!tpu.dma_semaphore, #tpu.memory_space<semaphore_mem>>)
        %dma_wait3A_151 = arith.constant 0 : i32
        %dma_wait3A_152 = arith.constant 0 : i32
        %dma_wait3A_153 = tpu.memref_slice %arg9[%run_scoped3A_127, %dma_wait3A_151, %dma_wait3A_152] : memref<2x128x128xf32, #tpu.memory_space<vmem>> -> memref<1x128x128xf32, #tpu.memory_space<vmem>>
        %dma_wait3A_154 = tpu.memref_squeeze %dma_wait3A_153 : memref<1x128x128xf32, #tpu.memory_space<vmem>> -> memref<128x128xf32, #tpu.memory_space<vmem>>
        %dma_wait3A_155 = arith.constant 0 : i32
        %dma_wait3A_156 = tpu.memref_slice %arg5[%multiple_of3A_54, %dma_wait3A_155] : memref<163840x128xf32, #tpu.memory_space<hbm>> -> memref<128x128xf32, #tpu.memory_space<hbm>>
        %dma_wait3A_157 = arith.constant 0 : i32
        %dma_wait3A_158 = tpu.memref_slice %arg5[%multiple_of3A_54, %dma_wait3A_157] : memref<163840x128xf32, #tpu.memory_space<hbm>> -> memref<128x128xf32, #tpu.memory_space<hbm>>
        %dma_wait3A_159 = arith.constant 0 : i32
        %dma_wait3A_160 = arith.constant 0 : i32
        %dma_wait3A_161 = tpu.memref_slice %arg9[%run_scoped3A_127, %dma_wait3A_159, %dma_wait3A_160] : memref<2x128x128xf32, #tpu.memory_space<vmem>> -> memref<1x128x128xf32, #tpu.memory_space<vmem>>
        %dma_wait3A_162 = tpu.memref_squeeze %dma_wait3A_161 : memref<1x128x128xf32, #tpu.memory_space<vmem>> -> memref<128x128xf32, #tpu.memory_space<vmem>>
        tpu.wait_dma2 semaphore(%run_scoped3A_138 : memref<!tpu.dma_semaphore, #tpu.memory_space<semaphore_mem>>) src(%dma_wait3A_162 : memref<128x128xf32, #tpu.memory_space<vmem>>) dst(%dma_wait3A_158 : memref<128x128xf32, #tpu.memory_space<hbm>>)
        tpu.yield
      }) : () -> ()
      %dma_wait3A_128 = arith.constant 1 : i32
      %dma_wait3A_129 = arith.constant 0 : i32
      %dma_wait3A_130 = arith.constant 0 : i32
      %dma_wait3A_131 = tpu.memref_slice %arg10[%dma_wait3A_128, %dma_wait3A_129, %dma_wait3A_130] : memref<2x128x128xf32, #tpu.memory_space<vmem>> -> memref<1x128x128xf32, #tpu.memory_space<vmem>>
      %dma_wait3A_132 = tpu.memref_squeeze %dma_wait3A_131 : memref<1x128x128xf32, #tpu.memory_space<vmem>> -> memref<128x128xf32, #tpu.memory_space<vmem>>
      %dma_wait3A_133 = tpu.memref_slice %arg8[%mul3A_64] : memref<7424xi32, #tpu.memory_space<vmem>> -> memref<128xi32, #tpu.memory_space<vmem>>
      %dma_wait3A_134 = arith.constant 0 : i32
      %dma_wait3A_135 = arith.constant 0 : i32
      %dma_wait3A_136 = tpu.memref_slice %arg2[%dma_wait3A_134, %dma_wait3A_135] : memref<10000x128xf32, #tpu.memory_space<hbm>> -> memref<10000x128xf32, #tpu.memory_space<hbm>>
      tpu.wait_indirect_dma semaphore(%arg14 : memref<!tpu.dma_semaphore, #tpu.memory_space<semaphore_mem>>) src(%dma_wait3A_136 : memref<10000x128xf32, #tpu.memory_space<hbm>>) dst(%dma_wait3A_132 : memref<128x128xf32, #tpu.memory_space<vmem>>)
      %run_scoped3A_137 = arith.constant 1 : i32
      "tpu.region"() ({
        %run_scoped3A_138 = tpu.sem_alloc : memref<!tpu.dma_semaphore, #tpu.memory_space<semaphore_mem>>
        %dma_start3A_139 = arith.constant 0 : i32
        %dma_start3A_140 = arith.constant 0 : i32
        %dma_start3A_141 = tpu.memref_slice %arg10[%run_scoped3A_137, %dma_start3A_139, %dma_start3A_140] : memref<2x128x128xf32, #tpu.memory_space<vmem>> -> memref<1x128x128xf32, #tpu.memory_space<vmem>>
        %dma_start3A_142 = tpu.memref_squeeze %dma_start3A_141 : memref<1x128x128xf32, #tpu.memory_space<vmem>> -> memref<128x128xf32, #tpu.memory_space<vmem>>
        %dma_start3A_143 = arith.constant 0 : i32
        %dma_start3A_144 = tpu.memref_slice %arg6[%multiple_of3A_54, %dma_start3A_143] : memref<163840x128xf32, #tpu.memory_space<hbm>> -> memref<128x128xf32, #tpu.memory_space<hbm>>
        %dma_start3A_145 = arith.constant 0 : i32
        %dma_start3A_146 = tpu.memref_slice %arg6[%multiple_of3A_54, %dma_start3A_145] : memref<163840x128xf32, #tpu.memory_space<hbm>> -> memref<128x128xf32, #tpu.memory_space<hbm>>
        %dma_start3A_147 = arith.constant 0 : i32
        %dma_start3A_148 = arith.constant 0 : i32
        %dma_start3A_149 = tpu.memref_slice %arg10[%run_scoped3A_137, %dma_start3A_147, %dma_start3A_148] : memref<2x128x128xf32, #tpu.memory_space<vmem>> -> memref<1x128x128xf32, #tpu.memory_space<vmem>>
        %dma_start3A_150 = tpu.memref_squeeze %dma_start3A_149 : memref<1x128x128xf32, #tpu.memory_space<vmem>> -> memref<128x128xf32, #tpu.memory_space<vmem>>
        tpu.enqueue_dma source(%dma_start3A_150 : memref<128x128xf32, #tpu.memory_space<vmem>>) target(%dma_start3A_146 : memref<128x128xf32, #tpu.memory_space<hbm>>) target_semaphore(%run_scoped3A_138 : memref<!tpu.dma_semaphore, #tpu.memory_space<semaphore_mem>>)
        %dma_wait3A_151 = arith.constant 0 : i32
        %dma_wait3A_152 = arith.constant 0 : i32
        %dma_wait3A_153 = tpu.memref_slice %arg10[%run_scoped3A_137, %dma_wait3A_151, %dma_wait3A_152] : memref<2x128x128xf32, #tpu.memory_space<vmem>> -> memref<1x128x128xf32, #tpu.memory_space<vmem>>
        %dma_wait3A_154 = tpu.memref_squeeze %dma_wait3A_153 : memref<1x128x128xf32, #tpu.memory_space<vmem>> -> memref<128x128xf32, #tpu.memory_space<vmem>>
        %dma_wait3A_155 = arith.constant 0 : i32
        %dma_wait3A_156 = tpu.memref_slice %arg6[%multiple_of3A_54, %dma_wait3A_155] : memref<163840x128xf32, #tpu.memory_space<hbm>> -> memref<128x128xf32, #tpu.memory_space<hbm>>
        %dma_wait3A_157 = arith.constant 0 : i32
        %dma_wait3A_158 = tpu.memref_slice %arg6[%multiple_of3A_54, %dma_wait3A_157] : memref<163840x128xf32, #tpu.memory_space<hbm>> -> memref<128x128xf32, #tpu.memory_space<hbm>>
        %dma_wait3A_159 = arith.constant 0 : i32
        %dma_wait3A_160 = arith.constant 0 : i32
        %dma_wait3A_161 = tpu.memref_slice %arg10[%run_scoped3A_137, %dma_wait3A_159, %dma_wait3A_160] : memref<2x128x128xf32, #tpu.memory_space<vmem>> -> memref<1x128x128xf32, #tpu.memory_space<vmem>>
        %dma_wait3A_162 = tpu.memref_squeeze %dma_wait3A_161 : memref<1x128x128xf32, #tpu.memory_space<vmem>> -> memref<128x128xf32, #tpu.memory_space<vmem>>
        tpu.wait_dma2 semaphore(%run_scoped3A_138 : memref<!tpu.dma_semaphore, #tpu.memory_space<semaphore_mem>>) src(%dma_wait3A_162 : memref<128x128xf32, #tpu.memory_space<vmem>>) dst(%dma_wait3A_158 : memref<128x128xf32, #tpu.memory_space<hbm>>)
        tpu.yield
      }) : () -> ()
    }
    %while3A_39 = arith.constant 1 : i32
    scf.for %while3A_40 = %while3A_37 to %while3A_33 step %while3A_39  : i32 {
      %mul3A_41 = arith.constant 2 : i32
      %mul3A_42 = arith.muli %mul3A_41, %while3A_40 : i32
      %mul3A_43 = arith.constant 128 : i32
      %mul3A_44 = arith.muli %mul3A_42, %mul3A_43 : i32
      %add3A_45 = arith.addi %multiple_of3A, %mul3A_44 : i32
      %multiple_of3A_46 = tpu.assume_multiple %add3A_45, 8 : i32
      %mul3A_47 = arith.constant 2 : i32
      %mul3A_48 = arith.muli %mul3A_47, %while3A_40 : i32
      %add3A_49 = arith.constant 1 : i32
      %add3A_50 = arith.addi %mul3A_48, %add3A_49 : i32
      %mul3A_51 = arith.constant 128 : i32
      %mul3A_52 = arith.muli %add3A_50, %mul3A_51 : i32
      %add3A_53 = arith.addi %multiple_of3A, %mul3A_52 : i32
      %multiple_of3A_54 = tpu.assume_multiple %add3A_53, 8 : i32
      %mul3A_55 = arith.constant 2 : i32
      %mul3A_56 = arith.muli %mul3A_55, %while3A_40 : i32
      %mul3A_57 = arith.constant 128 : i32
      %mul3A_58 = arith.muli %mul3A_56, %mul3A_57 : i32
      %mul3A_59 = arith.constant 2 : i32
      %mul3A_60 = arith.muli %mul3A_59, %while3A_40 : i32
      %add3A_61 = arith.constant 1 : i32
      %add3A_62 = arith.addi %mul3A_60, %add3A_61 : i32
      %mul3A_63 = arith.constant 128 : i32
      %mul3A_64 = arith.muli %add3A_62, %mul3A_63 : i32
      %dma_start3A = arith.constant 0 : i32
      %dma_start3A_65 = arith.constant 0 : i32
      %dma_start3A_66 = arith.constant 0 : i32
      %dma_start3A_67 = tpu.memref_slice %arg9[%dma_start3A, %dma_start3A_65, %dma_start3A_66] : memref<2x128x128xf32, #tpu.memory_space<vmem>> -> memref<1x128x128xf32, #tpu.memory_space<vmem>>
      %dma_start3A_68 = tpu.memref_squeeze %dma_start3A_67 : memref<1x128x128xf32, #tpu.memory_space<vmem>> -> memref<128x128xf32, #tpu.memory_space<vmem>>
      %dma_start3A_69 = tpu.memref_slice %arg7[%mul3A_58] : memref<7424xi32, #tpu.memory_space<vmem>> -> memref<128xi32, #tpu.memory_space<vmem>>
      %dma_start3A_70 = arith.constant 0 : i32
      %dma_start3A_71 = arith.constant 0 : i32
      %dma_start3A_72 = tpu.memref_slice %arg2[%dma_start3A_70, %dma_start3A_71] : memref<10000x128xf32, #tpu.memory_space<hbm>> -> memref<10000x128xf32, #tpu.memory_space<hbm>>
      tpu.enqueue_indirect_dma source(%dma_start3A_72 : memref<10000x128xf32, #tpu.memory_space<hbm>>) target(%dma_start3A_68 : memref<128x128xf32, #tpu.memory_space<vmem>>) offsets(%dma_start3A_69 : memref<128xi32, #tpu.memory_space<vmem>>) semaphore(%arg11 : memref<!tpu.dma_semaphore, #tpu.memory_space<semaphore_mem>>)
      %dma_start3A_73 = arith.constant 0 : i32
      %dma_start3A_74 = arith.constant 0 : i32
      %dma_start3A_75 = arith.constant 0 : i32
      %dma_start3A_76 = tpu.memref_slice %arg10[%dma_start3A_73, %dma_start3A_74, %dma_start3A_75] : memref<2x128x128xf32, #tpu.memory_space<vmem>> -> memref<1x128x128xf32, #tpu.memory_space<vmem>>
      %dma_start3A_77 = tpu.memref_squeeze %dma_start3A_76 : memref<1x128x128xf32, #tpu.memory_space<vmem>> -> memref<128x128xf32, #tpu.memory_space<vmem>>
      %dma_start3A_78 = tpu.memref_slice %arg8[%mul3A_58] : memref<7424xi32, #tpu.memory_space<vmem>> -> memref<128xi32, #tpu.memory_space<vmem>>
      %dma_start3A_79 = arith.constant 0 : i32
      %dma_start3A_80 = arith.constant 0 : i32
      %dma_start3A_81 = tpu.memref_slice %arg2[%dma_start3A_79, %dma_start3A_80] : memref<10000x128xf32, #tpu.memory_space<hbm>> -> memref<10000x128xf32, #tpu.memory_space<hbm>>
      tpu.enqueue_indirect_dma source(%dma_start3A_81 : memref<10000x128xf32, #tpu.memory_space<hbm>>) target(%dma_start3A_77 : memref<128x128xf32, #tpu.memory_space<vmem>>) offsets(%dma_start3A_78 : memref<128xi32, #tpu.memory_space<vmem>>) semaphore(%arg13 : memref<!tpu.dma_semaphore, #tpu.memory_space<semaphore_mem>>)
      %dma_start3A_82 = arith.constant 1 : i32
      %dma_start3A_83 = arith.constant 0 : i32
      %dma_start3A_84 = arith.constant 0 : i32
      %dma_start3A_85 = tpu.memref_slice %arg9[%dma_start3A_82, %dma_start3A_83, %dma_start3A_84] : memref<2x128x128xf32, #tpu.memory_space<vmem>> -> memref<1x128x128xf32, #tpu.memory_space<vmem>>
      %dma_start3A_86 = tpu.memref_squeeze %dma_start3A_85 : memref<1x128x128xf32, #tpu.memory_space<vmem>> -> memref<128x128xf32, #tpu.memory_space<vmem>>
      %dma_start3A_87 = tpu.memref_slice %arg7[%mul3A_64] : memref<7424xi32, #tpu.memory_space<vmem>> -> memref<128xi32, #tpu.memory_space<vmem>>
      %dma_start3A_88 = arith.constant 0 : i32
      %dma_start3A_89 = arith.constant 0 : i32
      %dma_start3A_90 = tpu.memref_slice %arg2[%dma_start3A_88, %dma_start3A_89] : memref<10000x128xf32, #tpu.memory_space<hbm>> -> memref<10000x128xf32, #tpu.memory_space<hbm>>
      tpu.enqueue_indirect_dma source(%dma_start3A_90 : memref<10000x128xf32, #tpu.memory_space<hbm>>) target(%dma_start3A_86 : memref<128x128xf32, #tpu.memory_space<vmem>>) offsets(%dma_start3A_87 : memref<128xi32, #tpu.memory_space<vmem>>) semaphore(%arg12 : memref<!tpu.dma_semaphore, #tpu.memory_space<semaphore_mem>>)
      %dma_start3A_91 = arith.constant 1 : i32
      %dma_start3A_92 = arith.constant 0 : i32
      %dma_start3A_93 = arith.constant 0 : i32
      %dma_start3A_94 = tpu.memref_slice %arg10[%dma_start3A_91, %dma_start3A_92, %dma_start3A_93] : memref<2x128x128xf32, #tpu.memory_space<vmem>> -> memref<1x128x128xf32, #tpu.memory_space<vmem>>
      %dma_start3A_95 = tpu.memref_squeeze %dma_start3A_94 : memref<1x128x128xf32, #tpu.memory_space<vmem>> -> memref<128x128xf32, #tpu.memory_space<vmem>>
      %dma_start3A_96 = tpu.memref_slice %arg8[%mul3A_64] : memref<7424xi32, #tpu.memory_space<vmem>> -> memref<128xi32, #tpu.memory_space<vmem>>
      %dma_start3A_97 = arith.constant 0 : i32
      %dma_start3A_98 = arith.constant 0 : i32
      %dma_start3A_99 = tpu.memref_slice %arg2[%dma_start3A_97, %dma_start3A_98] : memref<10000x128xf32, #tpu.memory_space<hbm>> -> memref<10000x128xf32, #tpu.memory_space<hbm>>
      tpu.enqueue_indirect_dma source(%dma_start3A_99 : memref<10000x128xf32, #tpu.memory_space<hbm>>) target(%dma_start3A_95 : memref<128x128xf32, #tpu.memory_space<vmem>>) offsets(%dma_start3A_96 : memref<128xi32, #tpu.memory_space<vmem>>) semaphore(%arg14 : memref<!tpu.dma_semaphore, #tpu.memory_space<semaphore_mem>>)
      %dma_wait3A = arith.constant 0 : i32
      %dma_wait3A_100 = arith.constant 0 : i32
      %dma_wait3A_101 = arith.constant 0 : i32
      %dma_wait3A_102 = tpu.memref_slice %arg9[%dma_wait3A, %dma_wait3A_100, %dma_wait3A_101] : memref<2x128x128xf32, #tpu.memory_space<vmem>> -> memref<1x128x128xf32, #tpu.memory_space<vmem>>
      %dma_wait3A_103 = tpu.memref_squeeze %dma_wait3A_102 : memref<1x128x128xf32, #tpu.memory_space<vmem>> -> memref<128x128xf32, #tpu.memory_space<vmem>>
      %dma_wait3A_104 = tpu.memref_slice %arg7[%mul3A_58] : memref<7424xi32, #tpu.memory_space<vmem>> -> memref<128xi32, #tpu.memory_space<vmem>>
      %dma_wait3A_105 = arith.constant 0 : i32
      %dma_wait3A_106 = arith.constant 0 : i32
      %dma_wait3A_107 = tpu.memref_slice %arg2[%dma_wait3A_105, %dma_wait3A_106] : memref<10000x128xf32, #tpu.memory_space<hbm>> -> memref<10000x128xf32, #tpu.memory_space<hbm>>
      tpu.wait_indirect_dma semaphore(%arg11 : memref<!tpu.dma_semaphore, #tpu.memory_space<semaphore_mem>>) src(%dma_wait3A_107 : memref<10000x128xf32, #tpu.memory_space<hbm>>) dst(%dma_wait3A_103 : memref<128x128xf32, #tpu.memory_space<vmem>>)
      %run_scoped3A = arith.constant 0 : i32
      "tpu.region"() ({
        %run_scoped3A_138 = tpu.sem_alloc : memref<!tpu.dma_semaphore, #tpu.memory_space<semaphore_mem>>
        %dma_start3A_139 = arith.constant 0 : i32
        %dma_start3A_140 = arith.constant 0 : i32
        %dma_start3A_141 = tpu.memref_slice %arg9[%run_scoped3A, %dma_start3A_139, %dma_start3A_140] : memref<2x128x128xf32, #tpu.memory_space<vmem>> -> memref<1x128x128xf32, #tpu.memory_space<vmem>>
        %dma_start3A_142 = tpu.memref_squeeze %dma_start3A_141 : memref<1x128x128xf32, #tpu.memory_space<vmem>> -> memref<128x128xf32, #tpu.memory_space<vmem>>
        %dma_start3A_143 = arith.constant 0 : i32
        %dma_start3A_144 = tpu.memref_slice %arg5[%multiple_of3A_46, %dma_start3A_143] : memref<163840x128xf32, #tpu.memory_space<hbm>> -> memref<128x128xf32, #tpu.memory_space<hbm>>
        %dma_start3A_145 = arith.constant 0 : i32
        %dma_start3A_146 = tpu.memref_slice %arg5[%multiple_of3A_46, %dma_start3A_145] : memref<163840x128xf32, #tpu.memory_space<hbm>> -> memref<128x128xf32, #tpu.memory_space<hbm>>
        %dma_start3A_147 = arith.constant 0 : i32
        %dma_start3A_148 = arith.constant 0 : i32
        %dma_start3A_149 = tpu.memref_slice %arg9[%run_scoped3A, %dma_start3A_147, %dma_start3A_148] : memref<2x128x128xf32, #tpu.memory_space<vmem>> -> memref<1x128x128xf32, #tpu.memory_space<vmem>>
        %dma_start3A_150 = tpu.memref_squeeze %dma_start3A_149 : memref<1x128x128xf32, #tpu.memory_space<vmem>> -> memref<128x128xf32, #tpu.memory_space<vmem>>
        tpu.enqueue_dma source(%dma_start3A_150 : memref<128x128xf32, #tpu.memory_space<vmem>>) target(%dma_start3A_146 : memref<128x128xf32, #tpu.memory_space<hbm>>) target_semaphore(%run_scoped3A_138 : memref<!tpu.dma_semaphore, #tpu.memory_space<semaphore_mem>>)
        %dma_wait3A_151 = arith.constant 0 : i32
        %dma_wait3A_152 = arith.constant 0 : i32
        %dma_wait3A_153 = tpu.memref_slice %arg9[%run_scoped3A, %dma_wait3A_151, %dma_wait3A_152] : memref<2x128x128xf32, #tpu.memory_space<vmem>> -> memref<1x128x128xf32, #tpu.memory_space<vmem>>
        %dma_wait3A_154 = tpu.memref_squeeze %dma_wait3A_153 : memref<1x128x128xf32, #tpu.memory_space<vmem>> -> memref<128x128xf32, #tpu.memory_space<vmem>>
        %dma_wait3A_155 = arith.constant 0 : i32
        %dma_wait3A_156 = tpu.memref_slice %arg5[%multiple_of3A_46, %dma_wait3A_155] : memref<163840x128xf32, #tpu.memory_space<hbm>> -> memref<128x128xf32, #tpu.memory_space<hbm>>
        %dma_wait3A_157 = arith.constant 0 : i32
        %dma_wait3A_158 = tpu.memref_slice %arg5[%multiple_of3A_46, %dma_wait3A_157] : memref<163840x128xf32, #tpu.memory_space<hbm>> -> memref<128x128xf32, #tpu.memory_space<hbm>>
        %dma_wait3A_159 = arith.constant 0 : i32
        %dma_wait3A_160 = arith.constant 0 : i32
        %dma_wait3A_161 = tpu.memref_slice %arg9[%run_scoped3A, %dma_wait3A_159, %dma_wait3A_160] : memref<2x128x128xf32, #tpu.memory_space<vmem>> -> memref<1x128x128xf32, #tpu.memory_space<vmem>>
        %dma_wait3A_162 = tpu.memref_squeeze %dma_wait3A_161 : memref<1x128x128xf32, #tpu.memory_space<vmem>> -> memref<128x128xf32, #tpu.memory_space<vmem>>
        tpu.wait_dma2 semaphore(%run_scoped3A_138 : memref<!tpu.dma_semaphore, #tpu.memory_space<semaphore_mem>>) src(%dma_wait3A_162 : memref<128x128xf32, #tpu.memory_space<vmem>>) dst(%dma_wait3A_158 : memref<128x128xf32, #tpu.memory_space<hbm>>)
        tpu.yield
      }) : () -> ()
      %dma_wait3A_108 = arith.constant 0 : i32
      %dma_wait3A_109 = arith.constant 0 : i32
      %dma_wait3A_110 = arith.constant 0 : i32
      %dma_wait3A_111 = tpu.memref_slice %arg10[%dma_wait3A_108, %dma_wait3A_109, %dma_wait3A_110] : memref<2x128x128xf32, #tpu.memory_space<vmem>> -> memref<1x128x128xf32, #tpu.memory_space<vmem>>
      %dma_wait3A_112 = tpu.memref_squeeze %dma_wait3A_111 : memref<1x128x128xf32, #tpu.memory_space<vmem>> -> memref<128x128xf32, #tpu.memory_space<vmem>>
      %dma_wait3A_113 = tpu.memref_slice %arg8[%mul3A_58] : memref<7424xi32, #tpu.memory_space<vmem>> -> memref<128xi32, #tpu.memory_space<vmem>>
      %dma_wait3A_114 = arith.constant 0 : i32
      %dma_wait3A_115 = arith.constant 0 : i32
      %dma_wait3A_116 = tpu.memref_slice %arg2[%dma_wait3A_114, %dma_wait3A_115] : memref<10000x128xf32, #tpu.memory_space<hbm>> -> memref<10000x128xf32, #tpu.memory_space<hbm>>
      tpu.wait_indirect_dma semaphore(%arg13 : memref<!tpu.dma_semaphore, #tpu.memory_space<semaphore_mem>>) src(%dma_wait3A_116 : memref<10000x128xf32, #tpu.memory_space<hbm>>) dst(%dma_wait3A_112 : memref<128x128xf32, #tpu.memory_space<vmem>>)
      %run_scoped3A_117 = arith.constant 0 : i32
      "tpu.region"() ({
        %run_scoped3A_138 = tpu.sem_alloc : memref<!tpu.dma_semaphore, #tpu.memory_space<semaphore_mem>>
        %dma_start3A_139 = arith.constant 0 : i32
        %dma_start3A_140 = arith.constant 0 : i32
        %dma_start3A_141 = tpu.memref_slice %arg10[%run_scoped3A_117, %dma_start3A_139, %dma_start3A_140] : memref<2x128x128xf32, #tpu.memory_space<vmem>> -> memref<1x128x128xf32, #tpu.memory_space<vmem>>
        %dma_start3A_142 = tpu.memref_squeeze %dma_start3A_141 : memref<1x128x128xf32, #tpu.memory_space<vmem>> -> memref<128x128xf32, #tpu.memory_space<vmem>>
        %dma_start3A_143 = arith.constant 0 : i32
        %dma_start3A_144 = tpu.memref_slice %arg6[%multiple_of3A_46, %dma_start3A_143] : memref<163840x128xf32, #tpu.memory_space<hbm>> -> memref<128x128xf32, #tpu.memory_space<hbm>>
        %dma_start3A_145 = arith.constant 0 : i32
        %dma_start3A_146 = tpu.memref_slice %arg6[%multiple_of3A_46, %dma_start3A_145] : memref<163840x128xf32, #tpu.memory_space<hbm>> -> memref<128x128xf32, #tpu.memory_space<hbm>>
        %dma_start3A_147 = arith.constant 0 : i32
        %dma_start3A_148 = arith.constant 0 : i32
        %dma_start3A_149 = tpu.memref_slice %arg10[%run_scoped3A_117, %dma_start3A_147, %dma_start3A_148] : memref<2x128x128xf32, #tpu.memory_space<vmem>> -> memref<1x128x128xf32, #tpu.memory_space<vmem>>
        %dma_start3A_150 = tpu.memref_squeeze %dma_start3A_149 : memref<1x128x128xf32, #tpu.memory_space<vmem>> -> memref<128x128xf32, #tpu.memory_space<vmem>>
        tpu.enqueue_dma source(%dma_start3A_150 : memref<128x128xf32, #tpu.memory_space<vmem>>) target(%dma_start3A_146 : memref<128x128xf32, #tpu.memory_space<hbm>>) target_semaphore(%run_scoped3A_138 : memref<!tpu.dma_semaphore, #tpu.memory_space<semaphore_mem>>)
        %dma_wait3A_151 = arith.constant 0 : i32
        %dma_wait3A_152 = arith.constant 0 : i32
        %dma_wait3A_153 = tpu.memref_slice %arg10[%run_scoped3A_117, %dma_wait3A_151, %dma_wait3A_152] : memref<2x128x128xf32, #tpu.memory_space<vmem>> -> memref<1x128x128xf32, #tpu.memory_space<vmem>>
        %dma_wait3A_154 = tpu.memref_squeeze %dma_wait3A_153 : memref<1x128x128xf32, #tpu.memory_space<vmem>> -> memref<128x128xf32, #tpu.memory_space<vmem>>
        %dma_wait3A_155 = arith.constant 0 : i32
        %dma_wait3A_156 = tpu.memref_slice %arg6[%multiple_of3A_46, %dma_wait3A_155] : memref<163840x128xf32, #tpu.memory_space<hbm>> -> memref<128x128xf32, #tpu.memory_space<hbm>>
        %dma_wait3A_157 = arith.constant 0 : i32
        %dma_wait3A_158 = tpu.memref_slice %arg6[%multiple_of3A_46, %dma_wait3A_157] : memref<163840x128xf32, #tpu.memory_space<hbm>> -> memref<128x128xf32, #tpu.memory_space<hbm>>
        %dma_wait3A_159 = arith.constant 0 : i32
        %dma_wait3A_160 = arith.constant 0 : i32
        %dma_wait3A_161 = tpu.memref_slice %arg10[%run_scoped3A_117, %dma_wait3A_159, %dma_wait3A_160] : memref<2x128x128xf32, #tpu.memory_space<vmem>> -> memref<1x128x128xf32, #tpu.memory_space<vmem>>
        %dma_wait3A_162 = tpu.memref_squeeze %dma_wait3A_161 : memref<1x128x128xf32, #tpu.memory_space<vmem>> -> memref<128x128xf32, #tpu.memory_space<vmem>>
        tpu.wait_dma2 semaphore(%run_scoped3A_138 : memref<!tpu.dma_semaphore, #tpu.memory_space<semaphore_mem>>) src(%dma_wait3A_162 : memref<128x128xf32, #tpu.memory_space<vmem>>) dst(%dma_wait3A_158 : memref<128x128xf32, #tpu.memory_space<hbm>>)
        tpu.yield
      }) : () -> ()
      %dma_wait3A_118 = arith.constant 1 : i32
      %dma_wait3A_119 = arith.constant 0 : i32
      %dma_wait3A_120 = arith.constant 0 : i32
      %dma_wait3A_121 = tpu.memref_slice %arg9[%dma_wait3A_118, %dma_wait3A_119, %dma_wait3A_120] : memref<2x128x128xf32, #tpu.memory_space<vmem>> -> memref<1x128x128xf32, #tpu.memory_space<vmem>>
      %dma_wait3A_122 = tpu.memref_squeeze %dma_wait3A_121 : memref<1x128x128xf32, #tpu.memory_space<vmem>> -> memref<128x128xf32, #tpu.memory_space<vmem>>
      %dma_wait3A_123 = tpu.memref_slice %arg7[%mul3A_64] : memref<7424xi32, #tpu.memory_space<vmem>> -> memref<128xi32, #tpu.memory_space<vmem>>
      %dma_wait3A_124 = arith.constant 0 : i32
      %dma_wait3A_125 = arith.constant 0 : i32
      %dma_wait3A_126 = tpu.memref_slice %arg2[%dma_wait3A_124, %dma_wait3A_125] : memref<10000x128xf32, #tpu.memory_space<hbm>> -> memref<10000x128xf32, #tpu.memory_space<hbm>>
      tpu.wait_indirect_dma semaphore(%arg12 : memref<!tpu.dma_semaphore, #tpu.memory_space<semaphore_mem>>) src(%dma_wait3A_126 : memref<10000x128xf32, #tpu.memory_space<hbm>>) dst(%dma_wait3A_122 : memref<128x128xf32, #tpu.memory_space<vmem>>)
      %run_scoped3A_127 = arith.constant 1 : i32
      "tpu.region"() ({
        %run_scoped3A_138 = tpu.sem_alloc : memref<!tpu.dma_semaphore, #tpu.memory_space<semaphore_mem>>
        %dma_start3A_139 = arith.constant 0 : i32
        %dma_start3A_140 = arith.constant 0 : i32
        %dma_start3A_141 = tpu.memref_slice %arg9[%run_scoped3A_127, %dma_start3A_139, %dma_start3A_140] : memref<2x128x128xf32, #tpu.memory_space<vmem>> -> memref<1x128x128xf32, #tpu.memory_space<vmem>>
        %dma_start3A_142 = tpu.memref_squeeze %dma_start3A_141 : memref<1x128x128xf32, #tpu.memory_space<vmem>> -> memref<128x128xf32, #tpu.memory_space<vmem>>
        %dma_start3A_143 = arith.constant 0 : i32
        %dma_start3A_144 = tpu.memref_slice %arg5[%multiple_of3A_54, %dma_start3A_143] : memref<163840x128xf32, #tpu.memory_space<hbm>> -> memref<128x128xf32, #tpu.memory_space<hbm>>
        %dma_start3A_145 = arith.constant 0 : i32
        %dma_start3A_146 = tpu.memref_slice %arg5[%multiple_of3A_54, %dma_start3A_145] : memref<163840x128xf32, #tpu.memory_space<hbm>> -> memref<128x128xf32, #tpu.memory_space<hbm>>
        %dma_start3A_147 = arith.constant 0 : i32
        %dma_start3A_148 = arith.constant 0 : i32
        %dma_start3A_149 = tpu.memref_slice %arg9[%run_scoped3A_127, %dma_start3A_147, %dma_start3A_148] : memref<2x128x128xf32, #tpu.memory_space<vmem>> -> memref<1x128x128xf32, #tpu.memory_space<vmem>>
        %dma_start3A_150 = tpu.memref_squeeze %dma_start3A_149 : memref<1x128x128xf32, #tpu.memory_space<vmem>> -> memref<128x128xf32, #tpu.memory_space<vmem>>
        tpu.enqueue_dma source(%dma_start3A_150 : memref<128x128xf32, #tpu.memory_space<vmem>>) target(%dma_start3A_146 : memref<128x128xf32, #tpu.memory_space<hbm>>) target_semaphore(%run_scoped3A_138 : memref<!tpu.dma_semaphore, #tpu.memory_space<semaphore_mem>>)
        %dma_wait3A_151 = arith.constant 0 : i32
        %dma_wait3A_152 = arith.constant 0 : i32
        %dma_wait3A_153 = tpu.memref_slice %arg9[%run_scoped3A_127, %dma_wait3A_151, %dma_wait3A_152] : memref<2x128x128xf32, #tpu.memory_space<vmem>> -> memref<1x128x128xf32, #tpu.memory_space<vmem>>
        %dma_wait3A_154 = tpu.memref_squeeze %dma_wait3A_153 : memref<1x128x128xf32, #tpu.memory_space<vmem>> -> memref<128x128xf32, #tpu.memory_space<vmem>>
        %dma_wait3A_155 = arith.constant 0 : i32
        %dma_wait3A_156 = tpu.memref_slice %arg5[%multiple_of3A_54, %dma_wait3A_155] : memref<163840x128xf32, #tpu.memory_space<hbm>> -> memref<128x128xf32, #tpu.memory_space<hbm>>
        %dma_wait3A_157 = arith.constant 0 : i32
        %dma_wait3A_158 = tpu.memref_slice %arg5[%multiple_of3A_54, %dma_wait3A_157] : memref<163840x128xf32, #tpu.memory_space<hbm>> -> memref<128x128xf32, #tpu.memory_space<hbm>>
        %dma_wait3A_159 = arith.constant 0 : i32
        %dma_wait3A_160 = arith.constant 0 : i32
        %dma_wait3A_161 = tpu.memref_slice %arg9[%run_scoped3A_127, %dma_wait3A_159, %dma_wait3A_160] : memref<2x128x128xf32, #tpu.memory_space<vmem>> -> memref<1x128x128xf32, #tpu.memory_space<vmem>>
        %dma_wait3A_162 = tpu.memref_squeeze %dma_wait3A_161 : memref<1x128x128xf32, #tpu.memory_space<vmem>> -> memref<128x128xf32, #tpu.memory_space<vmem>>
        tpu.wait_dma2 semaphore(%run_scoped3A_138 : memref<!tpu.dma_semaphore, #tpu.memory_space<semaphore_mem>>) src(%dma_wait3A_162 : memref<128x128xf32, #tpu.memory_space<vmem>>) dst(%dma_wait3A_158 : memref<128x128xf32, #tpu.memory_space<hbm>>)
        tpu.yield
      }) : () -> ()
      %dma_wait3A_128 = arith.constant 1 : i32
      %dma_wait3A_129 = arith.constant 0 : i32
      %dma_wait3A_130 = arith.constant 0 : i32
      %dma_wait3A_131 = tpu.memref_slice %arg10[%dma_wait3A_128, %dma_wait3A_129, %dma_wait3A_130] : memref<2x128x128xf32, #tpu.memory_space<vmem>> -> memref<1x128x128xf32, #tpu.memory_space<vmem>>
      %dma_wait3A_132 = tpu.memref_squeeze %dma_wait3A_131 : memref<1x128x128xf32, #tpu.memory_space<vmem>> -> memref<128x128xf32, #tpu.memory_space<vmem>>
      %dma_wait3A_133 = tpu.memref_slice %arg8[%mul3A_64] : memref<7424xi32, #tpu.memory_space<vmem>> -> memref<128xi32, #tpu.memory_space<vmem>>
      %dma_wait3A_134 = arith.constant 0 : i32
      %dma_wait3A_135 = arith.constant 0 : i32
      %dma_wait3A_136 = tpu.memref_slice %arg2[%dma_wait3A_134, %dma_wait3A_135] : memref<10000x128xf32, #tpu.memory_space<hbm>> -> memref<10000x128xf32, #tpu.memory_space<hbm>>
      tpu.wait_indirect_dma semaphore(%arg14 : memref<!tpu.dma_semaphore, #tpu.memory_space<semaphore_mem>>) src(%dma_wait3A_136 : memref<10000x128xf32, #tpu.memory_space<hbm>>) dst(%dma_wait3A_132 : memref<128x128xf32, #tpu.memory_space<vmem>>)
      %run_scoped3A_137 = arith.constant 1 : i32
      "tpu.region"() ({
        %run_scoped3A_138 = tpu.sem_alloc : memref<!tpu.dma_semaphore, #tpu.memory_space<semaphore_mem>>
        %dma_start3A_139 = arith.constant 0 : i32
        %dma_start3A_140 = arith.constant 0 : i32
        %dma_start3A_141 = tpu.memref_slice %arg10[%run_scoped3A_137, %dma_start3A_139, %dma_start3A_140] : memref<2x128x128xf32, #tpu.memory_space<vmem>> -> memref<1x128x128xf32, #tpu.memory_space<vmem>>
        %dma_start3A_142 = tpu.memref_squeeze %dma_start3A_141 : memref<1x128x128xf32, #tpu.memory_space<vmem>> -> memref<128x128xf32, #tpu.memory_space<vmem>>
        %dma_start3A_143 = arith.constant 0 : i32
        %dma_start3A_144 = tpu.memref_slice %arg6[%multiple_of3A_54, %dma_start3A_143] : memref<163840x128xf32, #tpu.memory_space<hbm>> -> memref<128x128xf32, #tpu.memory_space<hbm>>
        %dma_start3A_145 = arith.constant 0 : i32
        %dma_start3A_146 = tpu.memref_slice %arg6[%multiple_of3A_54, %dma_start3A_145] : memref<163840x128xf32, #tpu.memory_space<hbm>> -> memref<128x128xf32, #tpu.memory_space<hbm>>
        %dma_start3A_147 = arith.constant 0 : i32
        %dma_start3A_148 = arith.constant 0 : i32
        %dma_start3A_149 = tpu.memref_slice %arg10[%run_scoped3A_137, %dma_start3A_147, %dma_start3A_148] : memref<2x128x128xf32, #tpu.memory_space<vmem>> -> memref<1x128x128xf32, #tpu.memory_space<vmem>>
        %dma_start3A_150 = tpu.memref_squeeze %dma_start3A_149 : memref<1x128x128xf32, #tpu.memory_space<vmem>> -> memref<128x128xf32, #tpu.memory_space<vmem>>
        tpu.enqueue_dma source(%dma_start3A_150 : memref<128x128xf32, #tpu.memory_space<vmem>>) target(%dma_start3A_146 : memref<128x128xf32, #tpu.memory_space<hbm>>) target_semaphore(%run_scoped3A_138 : memref<!tpu.dma_semaphore, #tpu.memory_space<semaphore_mem>>)
        %dma_wait3A_151 = arith.constant 0 : i32
        %dma_wait3A_152 = arith.constant 0 : i32
        %dma_wait3A_153 = tpu.memref_slice %arg10[%run_scoped3A_137, %dma_wait3A_151, %dma_wait3A_152] : memref<2x128x128xf32, #tpu.memory_space<vmem>> -> memref<1x128x128xf32, #tpu.memory_space<vmem>>
        %dma_wait3A_154 = tpu.memref_squeeze %dma_wait3A_153 : memref<1x128x128xf32, #tpu.memory_space<vmem>> -> memref<128x128xf32, #tpu.memory_space<vmem>>
        %dma_wait3A_155 = arith.constant 0 : i32
        %dma_wait3A_156 = tpu.memref_slice %arg6[%multiple_of3A_54, %dma_wait3A_155] : memref<163840x128xf32, #tpu.memory_space<hbm>> -> memref<128x128xf32, #tpu.memory_space<hbm>>
        %dma_wait3A_157 = arith.constant 0 : i32
        %dma_wait3A_158 = tpu.memref_slice %arg6[%multiple_of3A_54, %dma_wait3A_157] : memref<163840x128xf32, #tpu.memory_space<hbm>> -> memref<128x128xf32, #tpu.memory_space<hbm>>
        %dma_wait3A_159 = arith.constant 0 : i32
        %dma_wait3A_160 = arith.constant 0 : i32
        %dma_wait3A_161 = tpu.memref_slice %arg10[%run_scoped3A_137, %dma_wait3A_159, %dma_wait3A_160] : memref<2x128x128xf32, #tpu.memory_space<vmem>> -> memref<1x128x128xf32, #tpu.memory_space<vmem>>
        %dma_wait3A_162 = tpu.memref_squeeze %dma_wait3A_161 : memref<1x128x128xf32, #tpu.memory_space<vmem>> -> memref<128x128xf32, #tpu.memory_space<vmem>>
        tpu.wait_dma2 semaphore(%run_scoped3A_138 : memref<!tpu.dma_semaphore, #tpu.memory_space<semaphore_mem>>) src(%dma_wait3A_162 : memref<128x128xf32, #tpu.memory_space<vmem>>) dst(%dma_wait3A_158 : memref<128x128xf32, #tpu.memory_space<hbm>>)
        tpu.yield
      }) : () -> ()
    }
    return
  }
}

module attributes {stable_mosaic.version = 14 : i64} {
  func.func @_msg_body(%arg0: i32, %arg1: memref<2048x1xi32, #tpu.memory_space<vmem>>, %arg2: memref<2048x128xf32, #tpu.memory_space<vmem>>, %arg3: memref<2048x128xf32, #tpu.memory_space<vmem>>, %arg4: memref<128x40xf32, #tpu.memory_space<vmem>>, %arg5: memref<1x40xf32, #tpu.memory_space<vmem>>, %arg6: memref<5120x128xbf16, #tpu.memory_space<vmem>>, %arg7: memref<2048x128xf32, #tpu.memory_space<vmem>>, %arg8: memref<2048x5120xbf16, #tpu.memory_space<vmem>>) attributes {dimension_semantics = [#tpu.dimension_semantics<arbitrary>], iteration_bounds = array<i64: 80>, scalar_prefetch = 0 : i64, scratch_operands = 1 : i64, tpu.core_type = #tpu.core_type<tc>, window_params = [{transform_indices = @transform_0, window_bounds = array<i64: 2048, 1>}, {transform_indices = @transform_1, window_bounds = array<i64: 2048, 128>}, {transform_indices = @transform_2, window_bounds = array<i64: 2048, 128>}, {pipeline_mode = #tpu.pipeline_mode<synchronous>, transform_indices = @transform_3, window_bounds = array<i64: 128, 40>}, {pipeline_mode = #tpu.pipeline_mode<synchronous>, transform_indices = @transform_4, window_bounds = array<i64: 1, 40>}, {pipeline_mode = #tpu.pipeline_mode<synchronous>, transform_indices = @transform_5, window_bounds = array<i64: 5120, 128>}, {transform_indices = @transform_6, window_bounds = array<i64: 2048, 128>}]} {
    %get3A = arith.constant 0 : index
    %get3A_0 = arith.constant 0 : index
    %get3A_1 = vector.load %arg3[%get3A, %get3A_0] : memref<2048x128xf32, #tpu.memory_space<vmem>>, vector<2048x128xf32>
    %get3A_2 = arith.constant 0 : index
    %get3A_3 = arith.constant 0 : index
    %get3A_4 = vector.load %arg2[%get3A_2, %get3A_3] : memref<2048x128xf32, #tpu.memory_space<vmem>>, vector<2048x128xf32>
    %convert_element_type3A = arith.truncf %get3A_4 : vector<2048x128xf32> to vector<2048x128xbf16>
    %get3A_5 = arith.constant 0 : index
    %get3A_6 = arith.constant 0 : index
    %get3A_7 = vector.load %arg4[%get3A_5, %get3A_6] : memref<128x40xf32, #tpu.memory_space<vmem>>, vector<128x40xf32>
    %dot_general3A = arith.constant dense<0.000000e+00> : vector<2048x40xf32>
    %dot_general3A_8 = tpu.matmul %get3A_1, %get3A_7, %dot_general3A {dimension_numbers = #tpu.dot_dimension_numbers<[1], [0], [0], [1], [0, 0, 1, 1], [], []>, transpose_lhs_hint = false} : vector<2048x128xf32>, vector<128x40xf32>, vector<2048x40xf32> -> vector<2048x40xf32>
    %get3A_9 = arith.constant 0 : index
    %get3A_10 = arith.constant 0 : index
    %get3A_11 = vector.load %arg5[%get3A_9, %get3A_10] : memref<1x40xf32, #tpu.memory_space<vmem>>, vector<1x40xf32>
    %add3A = vector.broadcast %get3A_11 : vector<1x40xf32> to vector<2048x40xf32>
    %add3A_12 = arith.addf %dot_general3A_8, %add3A : vector<2048x40xf32>
    %ge3A = arith.constant 0.000000e+00 : f32
    %ge3A_13 = vector.broadcast %ge3A : f32 to vector<2048x40xf32>
    %ge3A_14 = arith.cmpf oge, %add3A_12, %ge3A_13 : vector<2048x40xf32>
    %mul3A = arith.constant 2.000000e-01 : f32
    %mul3A_15 = vector.broadcast %mul3A : f32 to vector<2048x40xf32>
    %mul3A_16 = arith.mulf %mul3A_15, %add3A_12 : vector<2048x40xf32>
    %select_n3A = arith.select %ge3A_14, %add3A_12, %mul3A_16 : vector<2048x40xi1>, vector<2048x40xf32>
    %iota3A = tpu.iota {dimensions = array<i32: 1>} : vector<2048x40xi32>
    %jit3A = arith.constant 8 : i32
    %div3A = vector.broadcast %jit3A : i32 to vector<2048x40xi32>
    %div3A_17 = arith.divsi %iota3A, %div3A : vector<2048x40xi32>
    %sign3A = arith.constant 0 : i32
    %sign3A_18 = vector.broadcast %sign3A : i32 to vector<2048x40xi32>
    %sign3A_19 = arith.cmpi sgt, %iota3A, %sign3A_18 : vector<2048x40xi32>
    %sign3A_20 = arith.extui %sign3A_19 : vector<2048x40xi1> to vector<2048x40xi32>
    %sign3A_21 = arith.constant 0 : i32
    %sign3A_22 = vector.broadcast %sign3A_21 : i32 to vector<2048x40xi32>
    %sign3A_23 = arith.cmpi slt, %iota3A, %sign3A_22 : vector<2048x40xi32>
    %sign3A_24 = arith.extui %sign3A_23 : vector<2048x40xi1> to vector<2048x40xi32>
    %sign3A_25 = arith.subi %sign3A_20, %sign3A_24 : vector<2048x40xi32>
    %sign3A_26 = arith.constant 0 : i32
    %sign3A_27 = arith.cmpi sgt, %jit3A, %sign3A_26 : i32
    %sign3A_28 = arith.extui %sign3A_27 : i1 to i32
    %sign3A_29 = arith.constant 0 : i32
    %sign3A_30 = arith.cmpi slt, %jit3A, %sign3A_29 : i32
    %sign3A_31 = arith.extui %sign3A_30 : i1 to i32
    %sign3A_32 = arith.subi %sign3A_28, %sign3A_31 : i32
    %ne3A = vector.broadcast %sign3A_32 : i32 to vector<2048x40xi32>
    %ne3A_33 = arith.cmpi ne, %sign3A_25, %ne3A : vector<2048x40xi32>
    %rem3A = vector.broadcast %jit3A : i32 to vector<2048x40xi32>
    %rem3A_34 = arith.remsi %iota3A, %rem3A : vector<2048x40xi32>
    %ne3A_35 = arith.constant 0 : i32
    %ne3A_36 = vector.broadcast %ne3A_35 : i32 to vector<2048x40xi32>
    %ne3A_37 = arith.cmpi ne, %rem3A_34, %ne3A_36 : vector<2048x40xi32>
    %and3A = arith.andi %ne3A_33, %ne3A_37 : vector<2048x40xi1>
    %sub3A = arith.constant 1 : i32
    %sub3A_38 = vector.broadcast %sub3A : i32 to vector<2048x40xi32>
    %sub3A_39 = arith.subi %div3A_17, %sub3A_38 : vector<2048x40xi32>
    %select_n3A_40 = arith.select %and3A, %sub3A_39, %div3A_17 : vector<2048x40xi1>, vector<2048x40xi32>
    %get3A_41 = arith.constant 0 : index
    %get3A_42 = arith.constant 0 : index
    %get3A_43 = vector.load %arg1[%get3A_41, %get3A_42] : memref<2048x1xi32, #tpu.memory_space<vmem>>, vector<2048x1xi32>
    %eq3A = vector.broadcast %get3A_43 : vector<2048x1xi32> to vector<2048x40xi32>
    %eq3A_44 = arith.cmpi eq, %select_n3A_40, %eq3A : vector<2048x40xi32>
    %jit3A_45 = arith.constant 0.000000e+00 : f32
    %broadcast_in_dim3A = vector.broadcast %jit3A_45 : f32 to vector<2048x40xf32>
    %select_n3A_46 = arith.select %eq3A_44, %select_n3A, %broadcast_in_dim3A : vector<2048x40xi1>, vector<2048x40xf32>
    %convert_element_type3A_47 = arith.truncf %select_n3A_46 : vector<2048x40xf32> to vector<2048x40xbf16>
    %slice3A = vector.extract_strided_slice %convert_element_type3A_47 {offsets = [0, 0], sizes = [2048, 1], strides = [1, 1]} : vector<2048x40xbf16> to vector<2048x1xbf16>
    %mul3A_48 = vector.broadcast %slice3A : vector<2048x1xbf16> to vector<2048x128xbf16>
    %mul3A_49 = arith.mulf %mul3A_48, %convert_element_type3A : vector<2048x128xbf16>
    %swap3A = arith.constant 0 : index
    %swap3A_50 = arith.constant 0 : index
    %swap3A_51 = vector.load %arg8[%swap3A, %swap3A_50] : memref<2048x5120xbf16, #tpu.memory_space<vmem>>, vector<2048x128xbf16>
    tpu.vector_store %arg8[%swap3A, %swap3A_50], %mul3A_49 {strides = array<i32>} : memref<2048x5120xbf16, #tpu.memory_space<vmem>>, vector<2048x128xbf16>,
    %slice3A_52 = vector.extract_strided_slice %convert_element_type3A_47 {offsets = [0, 1], sizes = [2048, 1], strides = [1, 1]} : vector<2048x40xbf16> to vector<2048x1xbf16>
    %mul3A_53 = vector.broadcast %slice3A_52 : vector<2048x1xbf16> to vector<2048x128xbf16>
    %mul3A_54 = arith.mulf %mul3A_53, %convert_element_type3A : vector<2048x128xbf16>
    %swap3A_55 = arith.constant 0 : index
    %swap3A_56 = arith.constant 128 : index
    %swap3A_57 = vector.load %arg8[%swap3A_55, %swap3A_56] : memref<2048x5120xbf16, #tpu.memory_space<vmem>>, vector<2048x128xbf16>
    tpu.vector_store %arg8[%swap3A_55, %swap3A_56], %mul3A_54 {strides = array<i32>} : memref<2048x5120xbf16, #tpu.memory_space<vmem>>, vector<2048x128xbf16>,
    %slice3A_58 = vector.extract_strided_slice %convert_element_type3A_47 {offsets = [0, 2], sizes = [2048, 1], strides = [1, 1]} : vector<2048x40xbf16> to vector<2048x1xbf16>
    %mul3A_59 = vector.broadcast %slice3A_58 : vector<2048x1xbf16> to vector<2048x128xbf16>
    %mul3A_60 = arith.mulf %mul3A_59, %convert_element_type3A : vector<2048x128xbf16>
    %swap3A_61 = arith.constant 0 : index
    %swap3A_62 = arith.constant 256 : index
    %swap3A_63 = vector.load %arg8[%swap3A_61, %swap3A_62] : memref<2048x5120xbf16, #tpu.memory_space<vmem>>, vector<2048x128xbf16>
    tpu.vector_store %arg8[%swap3A_61, %swap3A_62], %mul3A_60 {strides = array<i32>} : memref<2048x5120xbf16, #tpu.memory_space<vmem>>, vector<2048x128xbf16>,
    %slice3A_64 = vector.extract_strided_slice %convert_element_type3A_47 {offsets = [0, 3], sizes = [2048, 1], strides = [1, 1]} : vector<2048x40xbf16> to vector<2048x1xbf16>
    %mul3A_65 = vector.broadcast %slice3A_64 : vector<2048x1xbf16> to vector<2048x128xbf16>
    %mul3A_66 = arith.mulf %mul3A_65, %convert_element_type3A : vector<2048x128xbf16>
    %swap3A_67 = arith.constant 0 : index
    %swap3A_68 = arith.constant 384 : index
    %swap3A_69 = vector.load %arg8[%swap3A_67, %swap3A_68] : memref<2048x5120xbf16, #tpu.memory_space<vmem>>, vector<2048x128xbf16>
    tpu.vector_store %arg8[%swap3A_67, %swap3A_68], %mul3A_66 {strides = array<i32>} : memref<2048x5120xbf16, #tpu.memory_space<vmem>>, vector<2048x128xbf16>,
    %slice3A_70 = vector.extract_strided_slice %convert_element_type3A_47 {offsets = [0, 4], sizes = [2048, 1], strides = [1, 1]} : vector<2048x40xbf16> to vector<2048x1xbf16>
    %mul3A_71 = vector.broadcast %slice3A_70 : vector<2048x1xbf16> to vector<2048x128xbf16>
    %mul3A_72 = arith.mulf %mul3A_71, %convert_element_type3A : vector<2048x128xbf16>
    %swap3A_73 = arith.constant 0 : index
    %swap3A_74 = arith.constant 512 : index
    %swap3A_75 = vector.load %arg8[%swap3A_73, %swap3A_74] : memref<2048x5120xbf16, #tpu.memory_space<vmem>>, vector<2048x128xbf16>
    tpu.vector_store %arg8[%swap3A_73, %swap3A_74], %mul3A_72 {strides = array<i32>} : memref<2048x5120xbf16, #tpu.memory_space<vmem>>, vector<2048x128xbf16>,
    %slice3A_76 = vector.extract_strided_slice %convert_element_type3A_47 {offsets = [0, 5], sizes = [2048, 1], strides = [1, 1]} : vector<2048x40xbf16> to vector<2048x1xbf16>
    %mul3A_77 = vector.broadcast %slice3A_76 : vector<2048x1xbf16> to vector<2048x128xbf16>
    %mul3A_78 = arith.mulf %mul3A_77, %convert_element_type3A : vector<2048x128xbf16>
    %swap3A_79 = arith.constant 0 : index
    %swap3A_80 = arith.constant 640 : index
    %swap3A_81 = vector.load %arg8[%swap3A_79, %swap3A_80] : memref<2048x5120xbf16, #tpu.memory_space<vmem>>, vector<2048x128xbf16>
    tpu.vector_store %arg8[%swap3A_79, %swap3A_80], %mul3A_78 {strides = array<i32>} : memref<2048x5120xbf16, #tpu.memory_space<vmem>>, vector<2048x128xbf16>,
    %slice3A_82 = vector.extract_strided_slice %convert_element_type3A_47 {offsets = [0, 6], sizes = [2048, 1], strides = [1, 1]} : vector<2048x40xbf16> to vector<2048x1xbf16>
    %mul3A_83 = vector.broadcast %slice3A_82 : vector<2048x1xbf16> to vector<2048x128xbf16>
    %mul3A_84 = arith.mulf %mul3A_83, %convert_element_type3A : vector<2048x128xbf16>
    %swap3A_85 = arith.constant 0 : index
    %swap3A_86 = arith.constant 768 : index
    %swap3A_87 = vector.load %arg8[%swap3A_85, %swap3A_86] : memref<2048x5120xbf16, #tpu.memory_space<vmem>>, vector<2048x128xbf16>
    tpu.vector_store %arg8[%swap3A_85, %swap3A_86], %mul3A_84 {strides = array<i32>} : memref<2048x5120xbf16, #tpu.memory_space<vmem>>, vector<2048x128xbf16>,
    %slice3A_88 = vector.extract_strided_slice %convert_element_type3A_47 {offsets = [0, 7], sizes = [2048, 1], strides = [1, 1]} : vector<2048x40xbf16> to vector<2048x1xbf16>
    %mul3A_89 = vector.broadcast %slice3A_88 : vector<2048x1xbf16> to vector<2048x128xbf16>
    %mul3A_90 = arith.mulf %mul3A_89, %convert_element_type3A : vector<2048x128xbf16>
    %swap3A_91 = arith.constant 0 : index
    %swap3A_92 = arith.constant 896 : index
    %swap3A_93 = vector.load %arg8[%swap3A_91, %swap3A_92] : memref<2048x5120xbf16, #tpu.memory_space<vmem>>, vector<2048x128xbf16>
    tpu.vector_store %arg8[%swap3A_91, %swap3A_92], %mul3A_90 {strides = array<i32>} : memref<2048x5120xbf16, #tpu.memory_space<vmem>>, vector<2048x128xbf16>,
    %slice3A_94 = vector.extract_strided_slice %convert_element_type3A_47 {offsets = [0, 8], sizes = [2048, 1], strides = [1, 1]} : vector<2048x40xbf16> to vector<2048x1xbf16>
    %mul3A_95 = vector.broadcast %slice3A_94 : vector<2048x1xbf16> to vector<2048x128xbf16>
    %mul3A_96 = arith.mulf %mul3A_95, %convert_element_type3A : vector<2048x128xbf16>
    %swap3A_97 = arith.constant 0 : index
    %swap3A_98 = arith.constant 1024 : index
    %swap3A_99 = vector.load %arg8[%swap3A_97, %swap3A_98] : memref<2048x5120xbf16, #tpu.memory_space<vmem>>, vector<2048x128xbf16>
    tpu.vector_store %arg8[%swap3A_97, %swap3A_98], %mul3A_96 {strides = array<i32>} : memref<2048x5120xbf16, #tpu.memory_space<vmem>>, vector<2048x128xbf16>,
    %slice3A_100 = vector.extract_strided_slice %convert_element_type3A_47 {offsets = [0, 9], sizes = [2048, 1], strides = [1, 1]} : vector<2048x40xbf16> to vector<2048x1xbf16>
    %mul3A_101 = vector.broadcast %slice3A_100 : vector<2048x1xbf16> to vector<2048x128xbf16>
    %mul3A_102 = arith.mulf %mul3A_101, %convert_element_type3A : vector<2048x128xbf16>
    %swap3A_103 = arith.constant 0 : index
    %swap3A_104 = arith.constant 1152 : index
    %swap3A_105 = vector.load %arg8[%swap3A_103, %swap3A_104] : memref<2048x5120xbf16, #tpu.memory_space<vmem>>, vector<2048x128xbf16>
    tpu.vector_store %arg8[%swap3A_103, %swap3A_104], %mul3A_102 {strides = array<i32>} : memref<2048x5120xbf16, #tpu.memory_space<vmem>>, vector<2048x128xbf16>,
    %slice3A_106 = vector.extract_strided_slice %convert_element_type3A_47 {offsets = [0, 10], sizes = [2048, 1], strides = [1, 1]} : vector<2048x40xbf16> to vector<2048x1xbf16>
    %mul3A_107 = vector.broadcast %slice3A_106 : vector<2048x1xbf16> to vector<2048x128xbf16>
    %mul3A_108 = arith.mulf %mul3A_107, %convert_element_type3A : vector<2048x128xbf16>
    %swap3A_109 = arith.constant 0 : index
    %swap3A_110 = arith.constant 1280 : index
    %swap3A_111 = vector.load %arg8[%swap3A_109, %swap3A_110] : memref<2048x5120xbf16, #tpu.memory_space<vmem>>, vector<2048x128xbf16>
    tpu.vector_store %arg8[%swap3A_109, %swap3A_110], %mul3A_108 {strides = array<i32>} : memref<2048x5120xbf16, #tpu.memory_space<vmem>>, vector<2048x128xbf16>,
    %slice3A_112 = vector.extract_strided_slice %convert_element_type3A_47 {offsets = [0, 11], sizes = [2048, 1], strides = [1, 1]} : vector<2048x40xbf16> to vector<2048x1xbf16>
    %mul3A_113 = vector.broadcast %slice3A_112 : vector<2048x1xbf16> to vector<2048x128xbf16>
    %mul3A_114 = arith.mulf %mul3A_113, %convert_element_type3A : vector<2048x128xbf16>
    %swap3A_115 = arith.constant 0 : index
    %swap3A_116 = arith.constant 1408 : index
    %swap3A_117 = vector.load %arg8[%swap3A_115, %swap3A_116] : memref<2048x5120xbf16, #tpu.memory_space<vmem>>, vector<2048x128xbf16>
    tpu.vector_store %arg8[%swap3A_115, %swap3A_116], %mul3A_114 {strides = array<i32>} : memref<2048x5120xbf16, #tpu.memory_space<vmem>>, vector<2048x128xbf16>,
    %slice3A_118 = vector.extract_strided_slice %convert_element_type3A_47 {offsets = [0, 12], sizes = [2048, 1], strides = [1, 1]} : vector<2048x40xbf16> to vector<2048x1xbf16>
    %mul3A_119 = vector.broadcast %slice3A_118 : vector<2048x1xbf16> to vector<2048x128xbf16>
    %mul3A_120 = arith.mulf %mul3A_119, %convert_element_type3A : vector<2048x128xbf16>
    %swap3A_121 = arith.constant 0 : index
    %swap3A_122 = arith.constant 1536 : index
    %swap3A_123 = vector.load %arg8[%swap3A_121, %swap3A_122] : memref<2048x5120xbf16, #tpu.memory_space<vmem>>, vector<2048x128xbf16>
    tpu.vector_store %arg8[%swap3A_121, %swap3A_122], %mul3A_120 {strides = array<i32>} : memref<2048x5120xbf16, #tpu.memory_space<vmem>>, vector<2048x128xbf16>,
    %slice3A_124 = vector.extract_strided_slice %convert_element_type3A_47 {offsets = [0, 13], sizes = [2048, 1], strides = [1, 1]} : vector<2048x40xbf16> to vector<2048x1xbf16>
    %mul3A_125 = vector.broadcast %slice3A_124 : vector<2048x1xbf16> to vector<2048x128xbf16>
    %mul3A_126 = arith.mulf %mul3A_125, %convert_element_type3A : vector<2048x128xbf16>
    %swap3A_127 = arith.constant 0 : index
    %swap3A_128 = arith.constant 1664 : index
    %swap3A_129 = vector.load %arg8[%swap3A_127, %swap3A_128] : memref<2048x5120xbf16, #tpu.memory_space<vmem>>, vector<2048x128xbf16>
    tpu.vector_store %arg8[%swap3A_127, %swap3A_128], %mul3A_126 {strides = array<i32>} : memref<2048x5120xbf16, #tpu.memory_space<vmem>>, vector<2048x128xbf16>,
    %slice3A_130 = vector.extract_strided_slice %convert_element_type3A_47 {offsets = [0, 14], sizes = [2048, 1], strides = [1, 1]} : vector<2048x40xbf16> to vector<2048x1xbf16>
    %mul3A_131 = vector.broadcast %slice3A_130 : vector<2048x1xbf16> to vector<2048x128xbf16>
    %mul3A_132 = arith.mulf %mul3A_131, %convert_element_type3A : vector<2048x128xbf16>
    %swap3A_133 = arith.constant 0 : index
    %swap3A_134 = arith.constant 1792 : index
    %swap3A_135 = vector.load %arg8[%swap3A_133, %swap3A_134] : memref<2048x5120xbf16, #tpu.memory_space<vmem>>, vector<2048x128xbf16>
    tpu.vector_store %arg8[%swap3A_133, %swap3A_134], %mul3A_132 {strides = array<i32>} : memref<2048x5120xbf16, #tpu.memory_space<vmem>>, vector<2048x128xbf16>,
    %slice3A_136 = vector.extract_strided_slice %convert_element_type3A_47 {offsets = [0, 15], sizes = [2048, 1], strides = [1, 1]} : vector<2048x40xbf16> to vector<2048x1xbf16>
    %mul3A_137 = vector.broadcast %slice3A_136 : vector<2048x1xbf16> to vector<2048x128xbf16>
    %mul3A_138 = arith.mulf %mul3A_137, %convert_element_type3A : vector<2048x128xbf16>
    %swap3A_139 = arith.constant 0 : index
    %swap3A_140 = arith.constant 1920 : index
    %swap3A_141 = vector.load %arg8[%swap3A_139, %swap3A_140] : memref<2048x5120xbf16, #tpu.memory_space<vmem>>, vector<2048x128xbf16>
    tpu.vector_store %arg8[%swap3A_139, %swap3A_140], %mul3A_138 {strides = array<i32>} : memref<2048x5120xbf16, #tpu.memory_space<vmem>>, vector<2048x128xbf16>,
    %slice3A_142 = vector.extract_strided_slice %convert_element_type3A_47 {offsets = [0, 16], sizes = [2048, 1], strides = [1, 1]} : vector<2048x40xbf16> to vector<2048x1xbf16>
    %mul3A_143 = vector.broadcast %slice3A_142 : vector<2048x1xbf16> to vector<2048x128xbf16>
    %mul3A_144 = arith.mulf %mul3A_143, %convert_element_type3A : vector<2048x128xbf16>
    %swap3A_145 = arith.constant 0 : index
    %swap3A_146 = arith.constant 2048 : index
    %swap3A_147 = vector.load %arg8[%swap3A_145, %swap3A_146] : memref<2048x5120xbf16, #tpu.memory_space<vmem>>, vector<2048x128xbf16>
    tpu.vector_store %arg8[%swap3A_145, %swap3A_146], %mul3A_144 {strides = array<i32>} : memref<2048x5120xbf16, #tpu.memory_space<vmem>>, vector<2048x128xbf16>,
    %slice3A_148 = vector.extract_strided_slice %convert_element_type3A_47 {offsets = [0, 17], sizes = [2048, 1], strides = [1, 1]} : vector<2048x40xbf16> to vector<2048x1xbf16>
    %mul3A_149 = vector.broadcast %slice3A_148 : vector<2048x1xbf16> to vector<2048x128xbf16>
    %mul3A_150 = arith.mulf %mul3A_149, %convert_element_type3A : vector<2048x128xbf16>
    %swap3A_151 = arith.constant 0 : index
    %swap3A_152 = arith.constant 2176 : index
    %swap3A_153 = vector.load %arg8[%swap3A_151, %swap3A_152] : memref<2048x5120xbf16, #tpu.memory_space<vmem>>, vector<2048x128xbf16>
    tpu.vector_store %arg8[%swap3A_151, %swap3A_152], %mul3A_150 {strides = array<i32>} : memref<2048x5120xbf16, #tpu.memory_space<vmem>>, vector<2048x128xbf16>,
    %slice3A_154 = vector.extract_strided_slice %convert_element_type3A_47 {offsets = [0, 18], sizes = [2048, 1], strides = [1, 1]} : vector<2048x40xbf16> to vector<2048x1xbf16>
    %mul3A_155 = vector.broadcast %slice3A_154 : vector<2048x1xbf16> to vector<2048x128xbf16>
    %mul3A_156 = arith.mulf %mul3A_155, %convert_element_type3A : vector<2048x128xbf16>
    %swap3A_157 = arith.constant 0 : index
    %swap3A_158 = arith.constant 2304 : index
    %swap3A_159 = vector.load %arg8[%swap3A_157, %swap3A_158] : memref<2048x5120xbf16, #tpu.memory_space<vmem>>, vector<2048x128xbf16>
    tpu.vector_store %arg8[%swap3A_157, %swap3A_158], %mul3A_156 {strides = array<i32>} : memref<2048x5120xbf16, #tpu.memory_space<vmem>>, vector<2048x128xbf16>,
    %slice3A_160 = vector.extract_strided_slice %convert_element_type3A_47 {offsets = [0, 19], sizes = [2048, 1], strides = [1, 1]} : vector<2048x40xbf16> to vector<2048x1xbf16>
    %mul3A_161 = vector.broadcast %slice3A_160 : vector<2048x1xbf16> to vector<2048x128xbf16>
    %mul3A_162 = arith.mulf %mul3A_161, %convert_element_type3A : vector<2048x128xbf16>
    %swap3A_163 = arith.constant 0 : index
    %swap3A_164 = arith.constant 2432 : index
    %swap3A_165 = vector.load %arg8[%swap3A_163, %swap3A_164] : memref<2048x5120xbf16, #tpu.memory_space<vmem>>, vector<2048x128xbf16>
    tpu.vector_store %arg8[%swap3A_163, %swap3A_164], %mul3A_162 {strides = array<i32>} : memref<2048x5120xbf16, #tpu.memory_space<vmem>>, vector<2048x128xbf16>,
    %slice3A_166 = vector.extract_strided_slice %convert_element_type3A_47 {offsets = [0, 20], sizes = [2048, 1], strides = [1, 1]} : vector<2048x40xbf16> to vector<2048x1xbf16>
    %mul3A_167 = vector.broadcast %slice3A_166 : vector<2048x1xbf16> to vector<2048x128xbf16>
    %mul3A_168 = arith.mulf %mul3A_167, %convert_element_type3A : vector<2048x128xbf16>
    %swap3A_169 = arith.constant 0 : index
    %swap3A_170 = arith.constant 2560 : index
    %swap3A_171 = vector.load %arg8[%swap3A_169, %swap3A_170] : memref<2048x5120xbf16, #tpu.memory_space<vmem>>, vector<2048x128xbf16>
    tpu.vector_store %arg8[%swap3A_169, %swap3A_170], %mul3A_168 {strides = array<i32>} : memref<2048x5120xbf16, #tpu.memory_space<vmem>>, vector<2048x128xbf16>,
    %slice3A_172 = vector.extract_strided_slice %convert_element_type3A_47 {offsets = [0, 21], sizes = [2048, 1], strides = [1, 1]} : vector<2048x40xbf16> to vector<2048x1xbf16>
    %mul3A_173 = vector.broadcast %slice3A_172 : vector<2048x1xbf16> to vector<2048x128xbf16>
    %mul3A_174 = arith.mulf %mul3A_173, %convert_element_type3A : vector<2048x128xbf16>
    %swap3A_175 = arith.constant 0 : index
    %swap3A_176 = arith.constant 2688 : index
    %swap3A_177 = vector.load %arg8[%swap3A_175, %swap3A_176] : memref<2048x5120xbf16, #tpu.memory_space<vmem>>, vector<2048x128xbf16>
    tpu.vector_store %arg8[%swap3A_175, %swap3A_176], %mul3A_174 {strides = array<i32>} : memref<2048x5120xbf16, #tpu.memory_space<vmem>>, vector<2048x128xbf16>,
    %slice3A_178 = vector.extract_strided_slice %convert_element_type3A_47 {offsets = [0, 22], sizes = [2048, 1], strides = [1, 1]} : vector<2048x40xbf16> to vector<2048x1xbf16>
    %mul3A_179 = vector.broadcast %slice3A_178 : vector<2048x1xbf16> to vector<2048x128xbf16>
    %mul3A_180 = arith.mulf %mul3A_179, %convert_element_type3A : vector<2048x128xbf16>
    %swap3A_181 = arith.constant 0 : index
    %swap3A_182 = arith.constant 2816 : index
    %swap3A_183 = vector.load %arg8[%swap3A_181, %swap3A_182] : memref<2048x5120xbf16, #tpu.memory_space<vmem>>, vector<2048x128xbf16>
    tpu.vector_store %arg8[%swap3A_181, %swap3A_182], %mul3A_180 {strides = array<i32>} : memref<2048x5120xbf16, #tpu.memory_space<vmem>>, vector<2048x128xbf16>,
    %slice3A_184 = vector.extract_strided_slice %convert_element_type3A_47 {offsets = [0, 23], sizes = [2048, 1], strides = [1, 1]} : vector<2048x40xbf16> to vector<2048x1xbf16>
    %mul3A_185 = vector.broadcast %slice3A_184 : vector<2048x1xbf16> to vector<2048x128xbf16>
    %mul3A_186 = arith.mulf %mul3A_185, %convert_element_type3A : vector<2048x128xbf16>
    %swap3A_187 = arith.constant 0 : index
    %swap3A_188 = arith.constant 2944 : index
    %swap3A_189 = vector.load %arg8[%swap3A_187, %swap3A_188] : memref<2048x5120xbf16, #tpu.memory_space<vmem>>, vector<2048x128xbf16>
    tpu.vector_store %arg8[%swap3A_187, %swap3A_188], %mul3A_186 {strides = array<i32>} : memref<2048x5120xbf16, #tpu.memory_space<vmem>>, vector<2048x128xbf16>,
    %slice3A_190 = vector.extract_strided_slice %convert_element_type3A_47 {offsets = [0, 24], sizes = [2048, 1], strides = [1, 1]} : vector<2048x40xbf16> to vector<2048x1xbf16>
    %mul3A_191 = vector.broadcast %slice3A_190 : vector<2048x1xbf16> to vector<2048x128xbf16>
    %mul3A_192 = arith.mulf %mul3A_191, %convert_element_type3A : vector<2048x128xbf16>
    %swap3A_193 = arith.constant 0 : index
    %swap3A_194 = arith.constant 3072 : index
    %swap3A_195 = vector.load %arg8[%swap3A_193, %swap3A_194] : memref<2048x5120xbf16, #tpu.memory_space<vmem>>, vector<2048x128xbf16>
    tpu.vector_store %arg8[%swap3A_193, %swap3A_194], %mul3A_192 {strides = array<i32>} : memref<2048x5120xbf16, #tpu.memory_space<vmem>>, vector<2048x128xbf16>,
    %slice3A_196 = vector.extract_strided_slice %convert_element_type3A_47 {offsets = [0, 25], sizes = [2048, 1], strides = [1, 1]} : vector<2048x40xbf16> to vector<2048x1xbf16>
    %mul3A_197 = vector.broadcast %slice3A_196 : vector<2048x1xbf16> to vector<2048x128xbf16>
    %mul3A_198 = arith.mulf %mul3A_197, %convert_element_type3A : vector<2048x128xbf16>
    %swap3A_199 = arith.constant 0 : index
    %swap3A_200 = arith.constant 3200 : index
    %swap3A_201 = vector.load %arg8[%swap3A_199, %swap3A_200] : memref<2048x5120xbf16, #tpu.memory_space<vmem>>, vector<2048x128xbf16>
    tpu.vector_store %arg8[%swap3A_199, %swap3A_200], %mul3A_198 {strides = array<i32>} : memref<2048x5120xbf16, #tpu.memory_space<vmem>>, vector<2048x128xbf16>,
    %slice3A_202 = vector.extract_strided_slice %convert_element_type3A_47 {offsets = [0, 26], sizes = [2048, 1], strides = [1, 1]} : vector<2048x40xbf16> to vector<2048x1xbf16>
    %mul3A_203 = vector.broadcast %slice3A_202 : vector<2048x1xbf16> to vector<2048x128xbf16>
    %mul3A_204 = arith.mulf %mul3A_203, %convert_element_type3A : vector<2048x128xbf16>
    %swap3A_205 = arith.constant 0 : index
    %swap3A_206 = arith.constant 3328 : index
    %swap3A_207 = vector.load %arg8[%swap3A_205, %swap3A_206] : memref<2048x5120xbf16, #tpu.memory_space<vmem>>, vector<2048x128xbf16>
    tpu.vector_store %arg8[%swap3A_205, %swap3A_206], %mul3A_204 {strides = array<i32>} : memref<2048x5120xbf16, #tpu.memory_space<vmem>>, vector<2048x128xbf16>,
    %slice3A_208 = vector.extract_strided_slice %convert_element_type3A_47 {offsets = [0, 27], sizes = [2048, 1], strides = [1, 1]} : vector<2048x40xbf16> to vector<2048x1xbf16>
    %mul3A_209 = vector.broadcast %slice3A_208 : vector<2048x1xbf16> to vector<2048x128xbf16>
    %mul3A_210 = arith.mulf %mul3A_209, %convert_element_type3A : vector<2048x128xbf16>
    %swap3A_211 = arith.constant 0 : index
    %swap3A_212 = arith.constant 3456 : index
    %swap3A_213 = vector.load %arg8[%swap3A_211, %swap3A_212] : memref<2048x5120xbf16, #tpu.memory_space<vmem>>, vector<2048x128xbf16>
    tpu.vector_store %arg8[%swap3A_211, %swap3A_212], %mul3A_210 {strides = array<i32>} : memref<2048x5120xbf16, #tpu.memory_space<vmem>>, vector<2048x128xbf16>,
    %slice3A_214 = vector.extract_strided_slice %convert_element_type3A_47 {offsets = [0, 28], sizes = [2048, 1], strides = [1, 1]} : vector<2048x40xbf16> to vector<2048x1xbf16>
    %mul3A_215 = vector.broadcast %slice3A_214 : vector<2048x1xbf16> to vector<2048x128xbf16>
    %mul3A_216 = arith.mulf %mul3A_215, %convert_element_type3A : vector<2048x128xbf16>
    %swap3A_217 = arith.constant 0 : index
    %swap3A_218 = arith.constant 3584 : index
    %swap3A_219 = vector.load %arg8[%swap3A_217, %swap3A_218] : memref<2048x5120xbf16, #tpu.memory_space<vmem>>, vector<2048x128xbf16>
    tpu.vector_store %arg8[%swap3A_217, %swap3A_218], %mul3A_216 {strides = array<i32>} : memref<2048x5120xbf16, #tpu.memory_space<vmem>>, vector<2048x128xbf16>,
    %slice3A_220 = vector.extract_strided_slice %convert_element_type3A_47 {offsets = [0, 29], sizes = [2048, 1], strides = [1, 1]} : vector<2048x40xbf16> to vector<2048x1xbf16>
    %mul3A_221 = vector.broadcast %slice3A_220 : vector<2048x1xbf16> to vector<2048x128xbf16>
    %mul3A_222 = arith.mulf %mul3A_221, %convert_element_type3A : vector<2048x128xbf16>
    %swap3A_223 = arith.constant 0 : index
    %swap3A_224 = arith.constant 3712 : index
    %swap3A_225 = vector.load %arg8[%swap3A_223, %swap3A_224] : memref<2048x5120xbf16, #tpu.memory_space<vmem>>, vector<2048x128xbf16>
    tpu.vector_store %arg8[%swap3A_223, %swap3A_224], %mul3A_222 {strides = array<i32>} : memref<2048x5120xbf16, #tpu.memory_space<vmem>>, vector<2048x128xbf16>,
    %slice3A_226 = vector.extract_strided_slice %convert_element_type3A_47 {offsets = [0, 30], sizes = [2048, 1], strides = [1, 1]} : vector<2048x40xbf16> to vector<2048x1xbf16>
    %mul3A_227 = vector.broadcast %slice3A_226 : vector<2048x1xbf16> to vector<2048x128xbf16>
    %mul3A_228 = arith.mulf %mul3A_227, %convert_element_type3A : vector<2048x128xbf16>
    %swap3A_229 = arith.constant 0 : index
    %swap3A_230 = arith.constant 3840 : index
    %swap3A_231 = vector.load %arg8[%swap3A_229, %swap3A_230] : memref<2048x5120xbf16, #tpu.memory_space<vmem>>, vector<2048x128xbf16>
    tpu.vector_store %arg8[%swap3A_229, %swap3A_230], %mul3A_228 {strides = array<i32>} : memref<2048x5120xbf16, #tpu.memory_space<vmem>>, vector<2048x128xbf16>,
    %slice3A_232 = vector.extract_strided_slice %convert_element_type3A_47 {offsets = [0, 31], sizes = [2048, 1], strides = [1, 1]} : vector<2048x40xbf16> to vector<2048x1xbf16>
    %mul3A_233 = vector.broadcast %slice3A_232 : vector<2048x1xbf16> to vector<2048x128xbf16>
    %mul3A_234 = arith.mulf %mul3A_233, %convert_element_type3A : vector<2048x128xbf16>
    %swap3A_235 = arith.constant 0 : index
    %swap3A_236 = arith.constant 3968 : index
    %swap3A_237 = vector.load %arg8[%swap3A_235, %swap3A_236] : memref<2048x5120xbf16, #tpu.memory_space<vmem>>, vector<2048x128xbf16>
    tpu.vector_store %arg8[%swap3A_235, %swap3A_236], %mul3A_234 {strides = array<i32>} : memref<2048x5120xbf16, #tpu.memory_space<vmem>>, vector<2048x128xbf16>,
    %slice3A_238 = vector.extract_strided_slice %convert_element_type3A_47 {offsets = [0, 32], sizes = [2048, 1], strides = [1, 1]} : vector<2048x40xbf16> to vector<2048x1xbf16>
    %mul3A_239 = vector.broadcast %slice3A_238 : vector<2048x1xbf16> to vector<2048x128xbf16>
    %mul3A_240 = arith.mulf %mul3A_239, %convert_element_type3A : vector<2048x128xbf16>
    %swap3A_241 = arith.constant 0 : index
    %swap3A_242 = arith.constant 4096 : index
    %swap3A_243 = vector.load %arg8[%swap3A_241, %swap3A_242] : memref<2048x5120xbf16, #tpu.memory_space<vmem>>, vector<2048x128xbf16>
    tpu.vector_store %arg8[%swap3A_241, %swap3A_242], %mul3A_240 {strides = array<i32>} : memref<2048x5120xbf16, #tpu.memory_space<vmem>>, vector<2048x128xbf16>,
    %slice3A_244 = vector.extract_strided_slice %convert_element_type3A_47 {offsets = [0, 33], sizes = [2048, 1], strides = [1, 1]} : vector<2048x40xbf16> to vector<2048x1xbf16>
    %mul3A_245 = vector.broadcast %slice3A_244 : vector<2048x1xbf16> to vector<2048x128xbf16>
    %mul3A_246 = arith.mulf %mul3A_245, %convert_element_type3A : vector<2048x128xbf16>
    %swap3A_247 = arith.constant 0 : index
    %swap3A_248 = arith.constant 4224 : index
    %swap3A_249 = vector.load %arg8[%swap3A_247, %swap3A_248] : memref<2048x5120xbf16, #tpu.memory_space<vmem>>, vector<2048x128xbf16>
    tpu.vector_store %arg8[%swap3A_247, %swap3A_248], %mul3A_246 {strides = array<i32>} : memref<2048x5120xbf16, #tpu.memory_space<vmem>>, vector<2048x128xbf16>,
    %slice3A_250 = vector.extract_strided_slice %convert_element_type3A_47 {offsets = [0, 34], sizes = [2048, 1], strides = [1, 1]} : vector<2048x40xbf16> to vector<2048x1xbf16>
    %mul3A_251 = vector.broadcast %slice3A_250 : vector<2048x1xbf16> to vector<2048x128xbf16>
    %mul3A_252 = arith.mulf %mul3A_251, %convert_element_type3A : vector<2048x128xbf16>
    %swap3A_253 = arith.constant 0 : index
    %swap3A_254 = arith.constant 4352 : index
    %swap3A_255 = vector.load %arg8[%swap3A_253, %swap3A_254] : memref<2048x5120xbf16, #tpu.memory_space<vmem>>, vector<2048x128xbf16>
    tpu.vector_store %arg8[%swap3A_253, %swap3A_254], %mul3A_252 {strides = array<i32>} : memref<2048x5120xbf16, #tpu.memory_space<vmem>>, vector<2048x128xbf16>,
    %slice3A_256 = vector.extract_strided_slice %convert_element_type3A_47 {offsets = [0, 35], sizes = [2048, 1], strides = [1, 1]} : vector<2048x40xbf16> to vector<2048x1xbf16>
    %mul3A_257 = vector.broadcast %slice3A_256 : vector<2048x1xbf16> to vector<2048x128xbf16>
    %mul3A_258 = arith.mulf %mul3A_257, %convert_element_type3A : vector<2048x128xbf16>
    %swap3A_259 = arith.constant 0 : index
    %swap3A_260 = arith.constant 4480 : index
    %swap3A_261 = vector.load %arg8[%swap3A_259, %swap3A_260] : memref<2048x5120xbf16, #tpu.memory_space<vmem>>, vector<2048x128xbf16>
    tpu.vector_store %arg8[%swap3A_259, %swap3A_260], %mul3A_258 {strides = array<i32>} : memref<2048x5120xbf16, #tpu.memory_space<vmem>>, vector<2048x128xbf16>,
    %slice3A_262 = vector.extract_strided_slice %convert_element_type3A_47 {offsets = [0, 36], sizes = [2048, 1], strides = [1, 1]} : vector<2048x40xbf16> to vector<2048x1xbf16>
    %mul3A_263 = vector.broadcast %slice3A_262 : vector<2048x1xbf16> to vector<2048x128xbf16>
    %mul3A_264 = arith.mulf %mul3A_263, %convert_element_type3A : vector<2048x128xbf16>
    %swap3A_265 = arith.constant 0 : index
    %swap3A_266 = arith.constant 4608 : index
    %swap3A_267 = vector.load %arg8[%swap3A_265, %swap3A_266] : memref<2048x5120xbf16, #tpu.memory_space<vmem>>, vector<2048x128xbf16>
    tpu.vector_store %arg8[%swap3A_265, %swap3A_266], %mul3A_264 {strides = array<i32>} : memref<2048x5120xbf16, #tpu.memory_space<vmem>>, vector<2048x128xbf16>,
    %slice3A_268 = vector.extract_strided_slice %convert_element_type3A_47 {offsets = [0, 37], sizes = [2048, 1], strides = [1, 1]} : vector<2048x40xbf16> to vector<2048x1xbf16>
    %mul3A_269 = vector.broadcast %slice3A_268 : vector<2048x1xbf16> to vector<2048x128xbf16>
    %mul3A_270 = arith.mulf %mul3A_269, %convert_element_type3A : vector<2048x128xbf16>
    %swap3A_271 = arith.constant 0 : index
    %swap3A_272 = arith.constant 4736 : index
    %swap3A_273 = vector.load %arg8[%swap3A_271, %swap3A_272] : memref<2048x5120xbf16, #tpu.memory_space<vmem>>, vector<2048x128xbf16>
    tpu.vector_store %arg8[%swap3A_271, %swap3A_272], %mul3A_270 {strides = array<i32>} : memref<2048x5120xbf16, #tpu.memory_space<vmem>>, vector<2048x128xbf16>,
    %slice3A_274 = vector.extract_strided_slice %convert_element_type3A_47 {offsets = [0, 38], sizes = [2048, 1], strides = [1, 1]} : vector<2048x40xbf16> to vector<2048x1xbf16>
    %mul3A_275 = vector.broadcast %slice3A_274 : vector<2048x1xbf16> to vector<2048x128xbf16>
    %mul3A_276 = arith.mulf %mul3A_275, %convert_element_type3A : vector<2048x128xbf16>
    %swap3A_277 = arith.constant 0 : index
    %swap3A_278 = arith.constant 4864 : index
    %swap3A_279 = vector.load %arg8[%swap3A_277, %swap3A_278] : memref<2048x5120xbf16, #tpu.memory_space<vmem>>, vector<2048x128xbf16>
    tpu.vector_store %arg8[%swap3A_277, %swap3A_278], %mul3A_276 {strides = array<i32>} : memref<2048x5120xbf16, #tpu.memory_space<vmem>>, vector<2048x128xbf16>,
    %slice3A_280 = vector.extract_strided_slice %convert_element_type3A_47 {offsets = [0, 39], sizes = [2048, 1], strides = [1, 1]} : vector<2048x40xbf16> to vector<2048x1xbf16>
    %mul3A_281 = vector.broadcast %slice3A_280 : vector<2048x1xbf16> to vector<2048x128xbf16>
    %mul3A_282 = arith.mulf %mul3A_281, %convert_element_type3A : vector<2048x128xbf16>
    %swap3A_283 = arith.constant 0 : index
    %swap3A_284 = arith.constant 4992 : index
    %swap3A_285 = vector.load %arg8[%swap3A_283, %swap3A_284] : memref<2048x5120xbf16, #tpu.memory_space<vmem>>, vector<2048x128xbf16>
    tpu.vector_store %arg8[%swap3A_283, %swap3A_284], %mul3A_282 {strides = array<i32>} : memref<2048x5120xbf16, #tpu.memory_space<vmem>>, vector<2048x128xbf16>,
    %get3A_286 = arith.constant 0 : index
    %get3A_287 = arith.constant 0 : index
    %get3A_288 = vector.load %arg8[%get3A_286, %get3A_287] : memref<2048x5120xbf16, #tpu.memory_space<vmem>>, vector<2048x5120xbf16>
    %get3A_289 = arith.constant 0 : index
    %get3A_290 = arith.constant 0 : index
    %get3A_291 = vector.load %arg6[%get3A_289, %get3A_290] : memref<5120x128xbf16, #tpu.memory_space<vmem>>, vector<5120x128xbf16>
    %dot_general3A_292 = arith.constant dense<0.000000e+00> : vector<2048x128xf32>
    %dot_general3A_293 = tpu.matmul %get3A_288, %get3A_291, %dot_general3A_292 {dimension_numbers = #tpu.dot_dimension_numbers<[1], [0], [0], [1], [0, 0, 1, 1], [], []>, transpose_lhs_hint = false} : vector<2048x5120xbf16>, vector<5120x128xbf16>, vector<2048x128xf32> -> vector<2048x128xf32>
    %swap3A_294 = arith.constant 0 : index
    %swap3A_295 = arith.constant 0 : index
    %swap3A_296 = vector.load %arg7[%swap3A_294, %swap3A_295] : memref<2048x128xf32, #tpu.memory_space<vmem>>, vector<2048x128xf32>
    tpu.vector_store %arg7[%swap3A_294, %swap3A_295], %dot_general3A_293 {strides = array<i32>} : memref<2048x128xf32, #tpu.memory_space<vmem>>, vector<2048x128xf32>,
    return
  }
  func.func @transform_0(%arg0: i32) -> (i32, i32) {
    %c0_i32 = arith.constant 0 : i32
    %c0_i32_0 = arith.constant 0 : i32
    return %arg0, %c0_i32 : i32, i32
  }
  func.func @transform_1(%arg0: i32) -> (i32, i32) {
    %c0_i32 = arith.constant 0 : i32
    %c0_i32_0 = arith.constant 0 : i32
    return %arg0, %c0_i32 : i32, i32
  }
  func.func @transform_2(%arg0: i32) -> (i32, i32) {
    %c0_i32 = arith.constant 0 : i32
    %c0_i32_0 = arith.constant 0 : i32
    return %arg0, %c0_i32 : i32, i32
  }
  func.func @transform_3(%arg0: i32) -> (i32, i32) {
    %c0_i32 = arith.constant 0 : i32
    %c0_i32_0 = arith.constant 0 : i32
    %c0_i32_1 = arith.constant 0 : i32
    return %c0_i32, %c0_i32_0 : i32, i32
  }
  func.func @transform_4(%arg0: i32) -> (i32, i32) {
    %c0_i32 = arith.constant 0 : i32
    %c0_i32_0 = arith.constant 0 : i32
    %c0_i32_1 = arith.constant 0 : i32
    return %c0_i32, %c0_i32_0 : i32, i32
  }
  func.func @transform_5(%arg0: i32) -> (i32, i32) {
    %c0_i32 = arith.constant 0 : i32
    %c0_i32_0 = arith.constant 0 : i32
    %c0_i32_1 = arith.constant 0 : i32
    return %c0_i32, %c0_i32_0 : i32, i32
  }
  func.func @transform_6(%arg0: i32) -> (i32, i32) {
    %c0_i32 = arith.constant 0 : i32
    %c0_i32_0 = arith.constant 0 : i32
    return %arg0, %c0_i32 : i32, i32
  }
}

module attributes {stable_mosaic.version = 14 : i64} {
  func.func @_fin_body(%arg0: i32, %arg1: memref<1000x128xf32, #tpu.memory_space<vmem>>, %arg2: memref<1000x128xf32, #tpu.memory_space<vmem>>, %arg3: memref<1000x32xf32, #tpu.memory_space<vmem>>, %arg4: memref<1000x128xf32, #tpu.memory_space<vmem>>, %arg5: memref<128x8xf32, #tpu.memory_space<vmem>>, %arg6: memref<1x8xf32, #tpu.memory_space<vmem>>, %arg7: memref<1024x128xf32, #tpu.memory_space<vmem>>, %arg8: memref<1x128xf32, #tpu.memory_space<vmem>>, %arg9: memref<1x128xf32, #tpu.memory_space<vmem>>, %arg10: memref<1x128xf32, #tpu.memory_space<vmem>>, %arg11: memref<1000x128xf32, #tpu.memory_space<vmem>>, %arg12: memref<1000x1024xf32, #tpu.memory_space<vmem>>) attributes {dimension_semantics = [#tpu.dimension_semantics<arbitrary>], iteration_bounds = array<i64: 10>, scalar_prefetch = 0 : i64, scratch_operands = 1 : i64, tpu.core_type = #tpu.core_type<tc>, window_params = [{transform_indices = @transform_0, window_bounds = array<i64: 1000, 128>}, {transform_indices = @transform_1, window_bounds = array<i64: 1000, 128>}, {transform_indices = @transform_2, window_bounds = array<i64: 1000, 32>}, {transform_indices = @transform_3, window_bounds = array<i64: 1000, 128>}, {pipeline_mode = #tpu.pipeline_mode<synchronous>, transform_indices = @transform_4, window_bounds = array<i64: 128, 8>}, {pipeline_mode = #tpu.pipeline_mode<synchronous>, transform_indices = @transform_5, window_bounds = array<i64: 1, 8>}, {pipeline_mode = #tpu.pipeline_mode<synchronous>, transform_indices = @transform_6, window_bounds = array<i64: 1024, 128>}, {pipeline_mode = #tpu.pipeline_mode<synchronous>, transform_indices = @transform_7, window_bounds = array<i64: 1, 128>}, {pipeline_mode = #tpu.pipeline_mode<synchronous>, transform_indices = @transform_8, window_bounds = array<i64: 1, 128>}, {pipeline_mode = #tpu.pipeline_mode<synchronous>, transform_indices = @transform_9, window_bounds = array<i64: 1, 128>}, {transform_indices = @transform_10, window_bounds = array<i64: 1000, 128>}]} {
    %get3A = arith.constant 0 : index
    %get3A_0 = arith.constant 0 : index
    %get3A_1 = vector.load %arg1[%get3A, %get3A_0] : memref<1000x128xf32, #tpu.memory_space<vmem>>, vector<1000x128xf32>
    %get3A_2 = arith.constant 0 : index
    %get3A_3 = arith.constant 0 : index
    %get3A_4 = vector.load %arg2[%get3A_2, %get3A_3] : memref<1000x128xf32, #tpu.memory_space<vmem>>, vector<1000x128xf32>
    %add3A = arith.addf %get3A_1, %get3A_4 : vector<1000x128xf32>
    %get3A_5 = arith.constant 0 : index
    %get3A_6 = arith.constant 0 : index
    %get3A_7 = vector.load %arg3[%get3A_5, %get3A_6] : memref<1000x32xf32, #tpu.memory_space<vmem>>, vector<1000x32xf32>
    %reduce_sum3A = arith.constant dense<0.000000e+00> : vector<1000xf32>
    %reduce_sum3A_8 = vector.multi_reduction <add>, %get3A_7, %reduce_sum3A [1] : vector<1000x32xf32> to vector<1000xf32>
    %broadcast_in_dim3A = vector.shape_cast %reduce_sum3A_8 : vector<1000xf32> to vector<1000x1xf32>
    %gt3A = arith.constant 0.000000e+00 : f32
    %gt3A_9 = vector.broadcast %gt3A : f32 to vector<1000x1xf32>
    %gt3A_10 = arith.cmpf ogt, %broadcast_in_dim3A, %gt3A_9 : vector<1000x1xf32>
    %max3A = arith.constant 1.000000e+00 : f32
    %max3A_11 = vector.broadcast %max3A : f32 to vector<1000x1xf32>
    %max3A_12 = arith.maximumf %broadcast_in_dim3A, %max3A_11 : vector<1000x1xf32>
    %div3A = vector.broadcast %max3A_12 : vector<1000x1xf32> to vector<1000x128xf32>
    %div3A_13 = arith.divf %add3A, %div3A : vector<1000x128xf32>
    %jit3A = arith.constant 0.000000e+00 : f32
    %broadcast_in_dim3A_14 = vector.shape_cast %gt3A_10 : vector<1000x1xi1> to vector<1000x1xi1>
    %broadcast_in_dim3A_15 = vector.broadcast %broadcast_in_dim3A_14 : vector<1000x1xi1> to vector<1000x128xi1>
    %broadcast_in_dim3A_16 = vector.broadcast %jit3A : f32 to vector<1000x128xf32>
    %select_n3A = arith.select %broadcast_in_dim3A_15, %div3A_13, %broadcast_in_dim3A_16 : vector<1000x128xi1>, vector<1000x128xf32>
    %reduce_sum3A_17 = arith.constant dense<0.000000e+00> : vector<1000xf32>
    %reduce_sum3A_18 = vector.multi_reduction <add>, %select_n3A, %reduce_sum3A_17 [1] : vector<1000x128xf32> to vector<1000xf32>
    %broadcast_in_dim3A_19 = vector.shape_cast %reduce_sum3A_18 : vector<1000xf32> to vector<1000x1xf32>
    %div3A_20 = arith.constant 1.280000e+02 : f32
    %div3A_21 = vector.broadcast %div3A_20 : f32 to vector<1000x1xf32>
    %div3A_22 = arith.divf %broadcast_in_dim3A_19, %div3A_21 : vector<1000x1xf32>
    %sub3A = vector.broadcast %div3A_22 : vector<1000x1xf32> to vector<1000x128xf32>
    %sub3A_23 = arith.subf %select_n3A, %sub3A : vector<1000x128xf32>
    %mul3A = arith.mulf %sub3A_23, %sub3A_23 : vector<1000x128xf32>
    %reduce_sum3A_24 = arith.constant dense<0.000000e+00> : vector<1000xf32>
    %reduce_sum3A_25 = vector.multi_reduction <add>, %mul3A, %reduce_sum3A_24 [1] : vector<1000x128xf32> to vector<1000xf32>
    %broadcast_in_dim3A_26 = vector.shape_cast %reduce_sum3A_25 : vector<1000xf32> to vector<1000x1xf32>
    %div3A_27 = arith.constant 1.280000e+02 : f32
    %div3A_28 = vector.broadcast %div3A_27 : f32 to vector<1000x1xf32>
    %div3A_29 = arith.divf %broadcast_in_dim3A_26, %div3A_28 : vector<1000x1xf32>
    %add3A_30 = arith.constant 9.99999974E-6 : f32
    %add3A_31 = vector.broadcast %add3A_30 : f32 to vector<1000x1xf32>
    %add3A_32 = arith.addf %div3A_29, %add3A_31 : vector<1000x1xf32>
    %rsqrt3A = math.rsqrt %add3A_32 : vector<1000x1xf32>
    %mul3A_33 = vector.broadcast %rsqrt3A : vector<1000x1xf32> to vector<1000x128xf32>
    %mul3A_34 = arith.mulf %sub3A_23, %mul3A_33 : vector<1000x128xf32>
    %get3A_35 = arith.constant 0 : index
    %get3A_36 = arith.constant 0 : index
    %get3A_37 = vector.load %arg9[%get3A_35, %get3A_36] : memref<1x128xf32, #tpu.memory_space<vmem>>, vector<1x128xf32>
    %mul3A_38 = vector.broadcast %get3A_37 : vector<1x128xf32> to vector<1000x128xf32>
    %mul3A_39 = arith.mulf %mul3A_34, %mul3A_38 : vector<1000x128xf32>
    %get3A_40 = arith.constant 0 : index
    %get3A_41 = arith.constant 0 : index
    %get3A_42 = vector.load %arg10[%get3A_40, %get3A_41] : memref<1x128xf32, #tpu.memory_space<vmem>>, vector<1x128xf32>
    %add3A_43 = vector.broadcast %get3A_42 : vector<1x128xf32> to vector<1000x128xf32>
    %add3A_44 = arith.addf %mul3A_39, %add3A_43 : vector<1000x128xf32>
    %get3A_45 = arith.constant 0 : index
    %get3A_46 = arith.constant 0 : index
    %get3A_47 = vector.load %arg8[%get3A_45, %get3A_46] : memref<1x128xf32, #tpu.memory_space<vmem>>, vector<1x128xf32>
    %add3A_48 = vector.broadcast %get3A_47 : vector<1x128xf32> to vector<1000x128xf32>
    %add3A_49 = arith.addf %add3A_44, %add3A_48 : vector<1000x128xf32>
    %get3A_50 = arith.constant 0 : index
    %get3A_51 = arith.constant 0 : index
    %get3A_52 = vector.load %arg4[%get3A_50, %get3A_51] : memref<1000x128xf32, #tpu.memory_space<vmem>>, vector<1000x128xf32>
    %get3A_53 = arith.constant 0 : index
    %get3A_54 = arith.constant 0 : index
    %get3A_55 = vector.load %arg5[%get3A_53, %get3A_54] : memref<128x8xf32, #tpu.memory_space<vmem>>, vector<128x8xf32>
    %dot_general3A = arith.constant dense<0.000000e+00> : vector<1000x8xf32>
    %dot_general3A_56 = tpu.matmul %get3A_52, %get3A_55, %dot_general3A {dimension_numbers = #tpu.dot_dimension_numbers<[1], [0], [0], [1], [0, 0, 1, 1], [], []>, transpose_lhs_hint = false} : vector<1000x128xf32>, vector<128x8xf32>, vector<1000x8xf32> -> vector<1000x8xf32>
    %get3A_57 = arith.constant 0 : index
    %get3A_58 = arith.constant 0 : index
    %get3A_59 = vector.load %arg6[%get3A_57, %get3A_58] : memref<1x8xf32, #tpu.memory_space<vmem>>, vector<1x8xf32>
    %add3A_60 = vector.broadcast %get3A_59 : vector<1x8xf32> to vector<1000x8xf32>
    %add3A_61 = arith.addf %dot_general3A_56, %add3A_60 : vector<1000x8xf32>
    %ge3A = arith.constant 0.000000e+00 : f32
    %ge3A_62 = vector.broadcast %ge3A : f32 to vector<1000x8xf32>
    %ge3A_63 = arith.cmpf oge, %add3A_61, %ge3A_62 : vector<1000x8xf32>
    %mul3A_64 = arith.constant 2.000000e-01 : f32
    %mul3A_65 = vector.broadcast %mul3A_64 : f32 to vector<1000x8xf32>
    %mul3A_66 = arith.mulf %mul3A_65, %add3A_61 : vector<1000x8xf32>
    %select_n3A_67 = arith.select %ge3A_63, %add3A_61, %mul3A_66 : vector<1000x8xi1>, vector<1000x8xf32>
    %slice3A = vector.extract_strided_slice %select_n3A_67 {offsets = [0, 0], sizes = [1000, 1], strides = [1, 1]} : vector<1000x8xf32> to vector<1000x1xf32>
    %mul3A_68 = vector.broadcast %slice3A : vector<1000x1xf32> to vector<1000x128xf32>
    %mul3A_69 = arith.mulf %mul3A_68, %get3A_52 : vector<1000x128xf32>
    %swap3A = arith.constant 0 : index
    %swap3A_70 = arith.constant 0 : index
    %swap3A_71 = vector.load %arg12[%swap3A, %swap3A_70] : memref<1000x1024xf32, #tpu.memory_space<vmem>>, vector<1000x128xf32>
    tpu.vector_store %arg12[%swap3A, %swap3A_70], %mul3A_69 {strides = array<i32>} : memref<1000x1024xf32, #tpu.memory_space<vmem>>, vector<1000x128xf32>,
    %slice3A_72 = vector.extract_strided_slice %select_n3A_67 {offsets = [0, 1], sizes = [1000, 1], strides = [1, 1]} : vector<1000x8xf32> to vector<1000x1xf32>
    %mul3A_73 = vector.broadcast %slice3A_72 : vector<1000x1xf32> to vector<1000x128xf32>
    %mul3A_74 = arith.mulf %mul3A_73, %get3A_52 : vector<1000x128xf32>
    %swap3A_75 = arith.constant 0 : index
    %swap3A_76 = arith.constant 128 : index
    %swap3A_77 = vector.load %arg12[%swap3A_75, %swap3A_76] : memref<1000x1024xf32, #tpu.memory_space<vmem>>, vector<1000x128xf32>
    tpu.vector_store %arg12[%swap3A_75, %swap3A_76], %mul3A_74 {strides = array<i32>} : memref<1000x1024xf32, #tpu.memory_space<vmem>>, vector<1000x128xf32>,
    %slice3A_78 = vector.extract_strided_slice %select_n3A_67 {offsets = [0, 2], sizes = [1000, 1], strides = [1, 1]} : vector<1000x8xf32> to vector<1000x1xf32>
    %mul3A_79 = vector.broadcast %slice3A_78 : vector<1000x1xf32> to vector<1000x128xf32>
    %mul3A_80 = arith.mulf %mul3A_79, %get3A_52 : vector<1000x128xf32>
    %swap3A_81 = arith.constant 0 : index
    %swap3A_82 = arith.constant 256 : index
    %swap3A_83 = vector.load %arg12[%swap3A_81, %swap3A_82] : memref<1000x1024xf32, #tpu.memory_space<vmem>>, vector<1000x128xf32>
    tpu.vector_store %arg12[%swap3A_81, %swap3A_82], %mul3A_80 {strides = array<i32>} : memref<1000x1024xf32, #tpu.memory_space<vmem>>, vector<1000x128xf32>,
    %slice3A_84 = vector.extract_strided_slice %select_n3A_67 {offsets = [0, 3], sizes = [1000, 1], strides = [1, 1]} : vector<1000x8xf32> to vector<1000x1xf32>
    %mul3A_85 = vector.broadcast %slice3A_84 : vector<1000x1xf32> to vector<1000x128xf32>
    %mul3A_86 = arith.mulf %mul3A_85, %get3A_52 : vector<1000x128xf32>
    %swap3A_87 = arith.constant 0 : index
    %swap3A_88 = arith.constant 384 : index
    %swap3A_89 = vector.load %arg12[%swap3A_87, %swap3A_88] : memref<1000x1024xf32, #tpu.memory_space<vmem>>, vector<1000x128xf32>
    tpu.vector_store %arg12[%swap3A_87, %swap3A_88], %mul3A_86 {strides = array<i32>} : memref<1000x1024xf32, #tpu.memory_space<vmem>>, vector<1000x128xf32>,
    %slice3A_90 = vector.extract_strided_slice %select_n3A_67 {offsets = [0, 4], sizes = [1000, 1], strides = [1, 1]} : vector<1000x8xf32> to vector<1000x1xf32>
    %mul3A_91 = vector.broadcast %slice3A_90 : vector<1000x1xf32> to vector<1000x128xf32>
    %mul3A_92 = arith.mulf %mul3A_91, %get3A_52 : vector<1000x128xf32>
    %swap3A_93 = arith.constant 0 : index
    %swap3A_94 = arith.constant 512 : index
    %swap3A_95 = vector.load %arg12[%swap3A_93, %swap3A_94] : memref<1000x1024xf32, #tpu.memory_space<vmem>>, vector<1000x128xf32>
    tpu.vector_store %arg12[%swap3A_93, %swap3A_94], %mul3A_92 {strides = array<i32>} : memref<1000x1024xf32, #tpu.memory_space<vmem>>, vector<1000x128xf32>,
    %slice3A_96 = vector.extract_strided_slice %select_n3A_67 {offsets = [0, 5], sizes = [1000, 1], strides = [1, 1]} : vector<1000x8xf32> to vector<1000x1xf32>
    %mul3A_97 = vector.broadcast %slice3A_96 : vector<1000x1xf32> to vector<1000x128xf32>
    %mul3A_98 = arith.mulf %mul3A_97, %get3A_52 : vector<1000x128xf32>
    %swap3A_99 = arith.constant 0 : index
    %swap3A_100 = arith.constant 640 : index
    %swap3A_101 = vector.load %arg12[%swap3A_99, %swap3A_100] : memref<1000x1024xf32, #tpu.memory_space<vmem>>, vector<1000x128xf32>
    tpu.vector_store %arg12[%swap3A_99, %swap3A_100], %mul3A_98 {strides = array<i32>} : memref<1000x1024xf32, #tpu.memory_space<vmem>>, vector<1000x128xf32>,
    %slice3A_102 = vector.extract_strided_slice %select_n3A_67 {offsets = [0, 6], sizes = [1000, 1], strides = [1, 1]} : vector<1000x8xf32> to vector<1000x1xf32>
    %mul3A_103 = vector.broadcast %slice3A_102 : vector<1000x1xf32> to vector<1000x128xf32>
    %mul3A_104 = arith.mulf %mul3A_103, %get3A_52 : vector<1000x128xf32>
    %swap3A_105 = arith.constant 0 : index
    %swap3A_106 = arith.constant 768 : index
    %swap3A_107 = vector.load %arg12[%swap3A_105, %swap3A_106] : memref<1000x1024xf32, #tpu.memory_space<vmem>>, vector<1000x128xf32>
    tpu.vector_store %arg12[%swap3A_105, %swap3A_106], %mul3A_104 {strides = array<i32>} : memref<1000x1024xf32, #tpu.memory_space<vmem>>, vector<1000x128xf32>,
    %slice3A_108 = vector.extract_strided_slice %select_n3A_67 {offsets = [0, 7], sizes = [1000, 1], strides = [1, 1]} : vector<1000x8xf32> to vector<1000x1xf32>
    %mul3A_109 = vector.broadcast %slice3A_108 : vector<1000x1xf32> to vector<1000x128xf32>
    %mul3A_110 = arith.mulf %mul3A_109, %get3A_52 : vector<1000x128xf32>
    %swap3A_111 = arith.constant 0 : index
    %swap3A_112 = arith.constant 896 : index
    %swap3A_113 = vector.load %arg12[%swap3A_111, %swap3A_112] : memref<1000x1024xf32, #tpu.memory_space<vmem>>, vector<1000x128xf32>
    tpu.vector_store %arg12[%swap3A_111, %swap3A_112], %mul3A_110 {strides = array<i32>} : memref<1000x1024xf32, #tpu.memory_space<vmem>>, vector<1000x128xf32>,
    %get3A_114 = arith.constant 0 : index
    %get3A_115 = arith.constant 0 : index
    %get3A_116 = vector.load %arg12[%get3A_114, %get3A_115] : memref<1000x1024xf32, #tpu.memory_space<vmem>>, vector<1000x1024xf32>
    %get3A_117 = arith.constant 0 : index
    %get3A_118 = arith.constant 0 : index
    %get3A_119 = vector.load %arg7[%get3A_117, %get3A_118] : memref<1024x128xf32, #tpu.memory_space<vmem>>, vector<1024x128xf32>
    %dot_general3A_120 = arith.constant dense<0.000000e+00> : vector<1000x128xf32>
    %dot_general3A_121 = tpu.matmul %get3A_116, %get3A_119, %dot_general3A_120 {dimension_numbers = #tpu.dot_dimension_numbers<[1], [0], [0], [1], [0, 0, 1, 1], [], []>, transpose_lhs_hint = false} : vector<1000x1024xf32>, vector<1024x128xf32>, vector<1000x128xf32> -> vector<1000x128xf32>
    %add3A_122 = arith.addf %add3A_49, %dot_general3A_121 : vector<1000x128xf32>
    %ge3A_123 = arith.constant 0.000000e+00 : f32
    %ge3A_124 = vector.broadcast %ge3A_123 : f32 to vector<1000x128xf32>
    %ge3A_125 = arith.cmpf oge, %add3A_122, %ge3A_124 : vector<1000x128xf32>
    %mul3A_126 = arith.constant 2.000000e-01 : f32
    %mul3A_127 = vector.broadcast %mul3A_126 : f32 to vector<1000x128xf32>
    %mul3A_128 = arith.mulf %mul3A_127, %add3A_122 : vector<1000x128xf32>
    %select_n3A_129 = arith.select %ge3A_125, %add3A_122, %mul3A_128 : vector<1000x128xi1>, vector<1000x128xf32>
    %swap3A_130 = arith.constant 0 : index
    %swap3A_131 = arith.constant 0 : index
    %swap3A_132 = vector.load %arg11[%swap3A_130, %swap3A_131] : memref<1000x128xf32, #tpu.memory_space<vmem>>, vector<1000x128xf32>
    tpu.vector_store %arg11[%swap3A_130, %swap3A_131], %select_n3A_129 {strides = array<i32>} : memref<1000x128xf32, #tpu.memory_space<vmem>>, vector<1000x128xf32>,
    return
  }
  func.func @transform_0(%arg0: i32) -> (i32, i32) {
    %c0_i32 = arith.constant 0 : i32
    %c0_i32_0 = arith.constant 0 : i32
    return %arg0, %c0_i32 : i32, i32
  }
  func.func @transform_1(%arg0: i32) -> (i32, i32) {
    %c0_i32 = arith.constant 0 : i32
    %c0_i32_0 = arith.constant 0 : i32
    return %arg0, %c0_i32 : i32, i32
  }
  func.func @transform_2(%arg0: i32) -> (i32, i32) {
    %c0_i32 = arith.constant 0 : i32
    %c0_i32_0 = arith.constant 0 : i32
    return %arg0, %c0_i32 : i32, i32
  }
  func.func @transform_3(%arg0: i32) -> (i32, i32) {
    %c0_i32 = arith.constant 0 : i32
    %c0_i32_0 = arith.constant 0 : i32
    return %arg0, %c0_i32 : i32, i32
  }
  func.func @transform_4(%arg0: i32) -> (i32, i32) {
    %c0_i32 = arith.constant 0 : i32
    %c0_i32_0 = arith.constant 0 : i32
    %c0_i32_1 = arith.constant 0 : i32
    return %c0_i32, %c0_i32_0 : i32, i32
  }
  func.func @transform_5(%arg0: i32) -> (i32, i32) {
    %c0_i32 = arith.constant 0 : i32
    %c0_i32_0 = arith.constant 0 : i32
    %c0_i32_1 = arith.constant 0 : i32
    return %c0_i32, %c0_i32_0 : i32, i32
  }
  func.func @transform_6(%arg0: i32) -> (i32, i32) {
    %c0_i32 = arith.constant 0 : i32
    %c0_i32_0 = arith.constant 0 : i32
    %c0_i32_1 = arith.constant 0 : i32
    return %c0_i32, %c0_i32_0 : i32, i32
  }
  func.func @transform_7(%arg0: i32) -> (i32, i32) {
    %c0_i32 = arith.constant 0 : i32
    %c0_i32_0 = arith.constant 0 : i32
    %c0_i32_1 = arith.constant 0 : i32
    return %c0_i32, %c0_i32_0 : i32, i32
  }
  func.func @transform_8(%arg0: i32) -> (i32, i32) {
    %c0_i32 = arith.constant 0 : i32
    %c0_i32_0 = arith.constant 0 : i32
    %c0_i32_1 = arith.constant 0 : i32
    return %c0_i32, %c0_i32_0 : i32, i32
  }
  func.func @transform_9(%arg0: i32) -> (i32, i32) {
    %c0_i32 = arith.constant 0 : i32
    %c0_i32_0 = arith.constant 0 : i32
    %c0_i32_1 = arith.constant 0 : i32
    return %c0_i32, %c0_i32_0 : i32, i32
  }
  func.func @transform_10(%arg0: i32) -> (i32, i32) {
    %c0_i32 = arith.constant 0 : i32
    %c0_i32_0 = arith.constant 0 : i32
    return %arg0, %c0_i32 : i32, i32
  }
}

</mosaic_0001>

<sc_bundles>
// kernel: kernel.6.cloned.1.call-start
scs
__scs_entry_jumppad:
0x0: {  	(pc) =	sbr.rel $0x88, $3  }
0x1: {  	(tag) =	ssettag $0x0;
	lr =	simm.s32 $0x1  }
0x2: {  	[smem:$0x3F95] =	sst lr;
	_ =	strace $0xD0000000  }
0x3: {  	_ = 	snop  }
0x4: {  	_ = 	snop  }
0x5: {  	_ = 	snop  }
0x6: {  	_ = 	snop  }
0x7: {  	_ = 	snop  }
__scs_overlays_trampoline_lowered:
0x8: {  	[smem:$0x3FA4] =	sst s0  }
0x9: {  	[smem:$0x3FA5] =	sst s1  }
0xa: {  	[smem:$0x3FA6] =	sst s2  }
0xb: {  	[smem:$0x3FA7] =	sst s3  }
0xc: {  	[smem:$0x3FA8] =	sst s4  }
0xd: {  	[smem:$0x3FA9] =	sst s5  }
0xe: {  	[smem:$0x3FAA] =	sst s6  }
0xf: {  	[smem:$0x3FAB] =	sst s7  }
0x10: {  	[smem:$0x3FAC] =	sst s8  }
0x11: {  	[smem:$0x3FAD] =	sst s9;
	s0 =	simm.s32 @!p0 $0x0  }
0x12: {  	s1 =	sld [smem:$0x3F93];
	s0 =	simm.s32 @p0 $0x1  }
0x13: {  	[smem:$0x3FAE] =	sst s0;
	s0 =	simm.s32 @!p1 $0x0  }
0x14: {  	s2 =	sld [smem:$0x3F92];
	s0 =	simm.s32 @p1 $0x1  }
0x15: {  	[smem:$0x3FAF] =	sst s0;
	s0 =	simm.s32 @!p2 $0x0  }
0x16: {  	s3 =	sld [smem:$0x3FDB];
	s0 =	simm.s32 @p2 $0x1  }
0x17: {  	s4 =	simm.s32 $0x1BF5;
	[smem:$0x3FB1] =	sst s0  }
0x18: {  	s0 =	sld [smem:$0x3F94];
	_ =	swait.ge [sflag:s4], $0x0  }
0x19: {  	s7 =	sld [smem:$0x3F95]  }
0x1a: {  	s8 =	sadd.s32 $0xFFFFE003, lr  }
0x1b: {  	s9 =	sadd.s32 $0xFFFFFEF7, lr;
	s5 =	simm.s32 $0xFFFFFFFF;
	p2 =	slt.u32 s8, $0xFFFFF086  }
0x1c: {  	p1 =	slt.u32 s9, $0xF7A;
	s5 =	simm.s32 @!p2 $0x0  }
0x1d: {  	s5 =	simm.s32 @p1 $0x1;
	p0 =	seq.s32 s7, s2  }
0x1e: {  	s7 =	smul.u32 @!p0 $0xF7A, s2;
	p2 =	seq.s32 @!p0 s5, $0x0  }
0x1f: {  	s9 =	smul.u32 $0xF7A, s1;
	s8 =	simm.s32 @!p0 $0x1BF5;
	p2 =	por !p2, p0  }
0x20: {  	[sflag:s8] =	ssyncset.s32 @!p0 $0xFFFFF086;
	s6 =	sadd.s32 @!p0 s3, s7;
	s7 =	simm.s32 @!p0 $0x108  }
0x21: {  	s3 =	sadd.s32 s3, s9;
	s6 =	sadd.s32 @!p0 $0x88, s6;
	s7 =	simm.s32 @p2 $0x1082  }
0x22: {  	[simem:s7], [sflag:s8] =	dma.local @!p0 [hbm:s6], $0xF7A  }
0x23: {  	s9 =	sor.u32 $0xD0000000, s2;
	s6 =	simm.s32 $0x108;
	_ =	swait.ge @!p0 [sflag:s8], $0x0  }
0x24: {  	s3 =	sadd.s32 $0x88, s3;
	s6 =	simm.s32 @!p1 $0x1082;
	[sflag:s4] =	ssyncset.s32 $0xFFFFF086  }
0x25: {  	[simem:s6], [sflag:s4] =	dma.local [hbm:s3], $0xF7A  }
0x26: {  	[smem:$0x3F95] =	sst s1;
	(tag) =	ssettag s2;
	_ =	strace s9  }
0x27: {  	s1 =	sld [smem:$0x3FA5]  }
0x28: {  	s2 =	sld [smem:$0x3FA6]  }
0x29: {  	s4 =	sld [smem:$0x3FA8]  }
0x2a: {  	p0 =	seq.s32 s5, $0x0;
	s5 =	sld [smem:$0x3FA9]  }
0x2b: {  	s6 =	sld [smem:$0x3FAA]  }
0x2c: {  	s7 =	sld [smem:$0x3FAB]  }
0x2d: {  	s3 =	simm.s32 $0x108;
	s8 =	sld [smem:$0x3FAC]  }
0x2e: {  	s3 =	simm.s32 @!p0 $0x1082;
	s9 =	sld [smem:$0x3FAD]  }
0x2f: {  	lr =	sadd.s32 s0, s3;
	s0 =	sld [smem:$0x3FA4]  }
0x30: {  	s3 =	sld [smem:$0x3FA7]  }
0x31: {  	[smem:$0x3FB0] =	sst s10  }
0x32: {  	s10 =	sld [smem:$0x3FAE];
	_ =	sdelay $0x3  }
0x33: {  	p0 =	seq.s32 s10, $0x1;
	s10 =	sld [smem:$0x3FB0];
	_ =	sdelay $0x3  }
0x34: {  	[smem:$0x3FB0] =	sst s10  }
0x35: {  	s10 =	sld [smem:$0x3FAF];
	_ =	sdelay $0x3  }
0x36: {  	p1 =	seq.s32 s10, $0x1;
	s10 =	sld [smem:$0x3FB0];
	_ =	sdelay $0x3  }
0x37: {  	[smem:$0x3FB0] =	sst s10  }
0x38: {  	s10 =	sld [smem:$0x3FB1]  }
0x39: {  	_ = 	snop;
	(pc) =	sbr.ind lr, $3  }
0x3a: {  	_ = 	snop  }
0x3b: {  	_ = 	snop  }
0x3c: {  	p2 =	seq.s32 s10, $0x1;
	s10 =	sld [smem:$0x3FB0]  }
0x3d: {  	_ =	shalt  }
0x3e: {  	_ =	shalt  }
0x3f: {  	_ =	shalt  }
0x40: {  	_ =	shalt  }
0x41: {  	_ =	shalt  }
0x42: {  	_ =	shalt  }
0x43: {  	_ =	shalt  }
0x44: {  	_ =	shalt  }
0x45: {  	_ =	shalt  }
0x46: {  	_ =	shalt  }
0x47: {  	_ =	shalt  }
0x48: {  	_ =	shalt  }
0x49: {  	_ =	shalt  }
0x4a: {  	_ =	shalt  }
0x4b: {  	_ =	shalt  }
0x4c: {  	_ =	shalt  }
0x4d: {  	_ =	shalt  }
0x4e: {  	_ =	shalt  }
0x4f: {  	_ =	shalt  }
0x50: {  	_ =	shalt  }
0x51: {  	_ =	shalt  }
0x52: {  	_ =	shalt  }
0x53: {  	_ =	shalt  }
0x54: {  	_ =	shalt  }
0x55: {  	_ =	shalt  }
0x56: {  	_ =	shalt  }
0x57: {  	_ =	shalt  }
0x58: {  	_ =	shalt  }
0x59: {  	_ =	shalt  }
0x5a: {  	_ =	shalt  }
0x5b: {  	_ =	shalt  }
0x5c: {  	_ =	shalt  }
0x5d: {  	_ =	shalt  }
0x5e: {  	_ =	shalt  }
0x5f: {  	_ =	shalt  }
0x60: {  	_ =	shalt  }
0x61: {  	_ =	shalt  }
0x62: {  	_ =	shalt  }
0x63: {  	_ =	shalt  }
0x64: {  	_ =	shalt  }
0x65: {  	_ =	shalt  }
0x66: {  	_ =	shalt  }
0x67: {  	_ =	shalt  }
0x68: {  	_ =	shalt  }
0x69: {  	_ =	shalt  }
0x6a: {  	_ =	shalt  }
0x6b: {  	_ =	shalt  }
0x6c: {  	_ =	shalt  }
0x6d: {  	_ =	shalt  }
0x6e: {  	_ =	shalt  }
0x6f: {  	_ =	shalt  }
0x70: {  	_ =	shalt  }
0x71: {  	_ =	shalt  }
0x72: {  	_ =	shalt  }
0x73: {  	_ =	shalt  }
0x74: {  	_ =	shalt  }
0x75: {  	_ =	shalt  }
0x76: {  	_ =	shalt  }
0x77: {  	_ =	shalt  }
0x78: {  	_ =	shalt  }
0x79: {  	_ =	shalt  }
0x7a: {  	_ =	shalt  }
0x7b: {  	_ =	shalt  }
0x7c: {  	_ =	shalt  }
0x7d: {  	_ =	shalt  }
0x7e: {  	_ =	shalt  }
0x7f: {  	_ =	shalt  }
0x80: {  	_ =	shalt  }
0x81: {  	_ =	shalt  }
0x82: {  	_ =	shalt  }
0x83: {  	_ =	shalt  }
0x84: {  	_ =	shalt  }
0x85: {  	_ =	shalt  }
0x86: {  	_ =	shalt  }
0x87: {  	_ =	shalt  }
.Lfunc_end0:
.L_simem_size_0:
called_computation_lowered:
.L_overlay_start_0:
0x88: {  	s2 =	sld [smem:$0x3FD9]  }
0x89: {  	s3 =	sld [smem:$0x3FFE];
	_ =	sdelay $0x1  }
0x8a: {  	s1 =	srdreg.scid  }
0x8b: {  	s0 =	sand.u32 $0x1, s1  }
0x8c: {  	s17 =	sshll.u32 s0, $0xA;
	s2 =	sadd.s32 s3, s2  }
0x8d: {  	s2 =	sadd.s32 s2, s17  }
0x8e: {  	[smem:$0x3FBC] =	sst s2  }
0x8f: {  	_ = 	snop  }
0x90: {  	s2 =	sld [smem:$0x3FC9]  }
0x91: {  	s18 =	sld [smem:$0x3FD0];
	(tm) =	ssettm $0x1  }
0x92: {  	s4 =	sld [smem:$0x3FFB];
	_ =	sdelay $0x3  }
0x93: {  	_ =	strace s4  }
0x94: {  	s4 =	sld [smem:$0x3FFC];
	_ =	sdelay $0x3  }
0x95: {  	_ =	strace s4  }
0x96: {  	s4 =	sld [smem:$0x3FFD];
	_ =	sdelay $0x3  }
0x97: {  	_ =	strace s4  }
0x98: {  	_ =	strace $0x8FFFFFFF  }
0x99: {  	s19 =	sld [smem:$0x3FDB];
	_ =	sdelay $0x1  }
0x9a: {  	s5 =	simm.s32 $_scs_section_size  }
0x9b: {  	s6 =	simm.s32 $_size__tile_overlayer_lowered;
	s7 =	simm.s32 $_tile_overlayer_lowered  }
0x9c: {  	s22 =	simm.s32 $0x1BFF;
	s21 =	sshll.u32 s7, $0x1;
	s4 =	sadd.s32 s5, s19  }
0x9d: {  	s8 =	simm.s32 $0x0;
	s20 =	sshll.u32 s6, $0x1;
	s6 =	sadd.s32 s21, s4  }
0x9e: {  	[timem:s8], [sflag:s22] =	dma.local [hbm:s6], s20  }
0x9f: {  	_ =	swait.ge [sflag:s22], s20  }
0xa0: {  	s5 =	ssub.s32 $0x0, s20;
	[sflag:s22] =	ssyncset.done $0x0  }
0xa1: {  	[sflag:s22] =	ssyncadd.s32 s5;
	_ =	sdelay $0x1  }
0xa2: {  	s23 =	simm.s32 $0x1B8B  }
0xa3: {  	_ =	swait.ge [sflag:s23], $0x1  }
0xa4: {  	[sflag:s23] =	ssyncset.done $0x0  }
0xa5: {  	s25 =	simm.s32 $0x1B8E;
	s24 =	sld [smem:$0x3FFE];
	[sflag:s23] =	ssyncadd.s32 $0xFFFFFFFF  }
0xa6: {  	s26 =	simm.s32 $execute0_lowered;
	[smem:$0x3FD2] =	sst s25  }
0xa7: {  	s6 =	sshll.u32 s26, $0x1;
	_ =	strace $0x80000046;
	[dreg:$0x1] =	wrdreg $0xFFFFFFFF  }
0xa8: {  	s28 =	simm.s32 $_size_execute0_lowered;
	s4 =	sadd.s32 s4, s6;
	[dreg:$0x0] =	wrdreg $0x0  }
0xa9: {  	s6 =	sshll.u32 s28, $0x1;
	[dreg:$0x2] =	wrdreg s4  }
0xaa: {  	[dreg:$0x3] =	wrdreg s6  }
0xab: {  	[dreg:$0x4] =	wrdreg $0xC0  }
0xac: {  	_ =	task [dreg:s8], $0x5FFFF  }
0xad: {  	[dreg:$0x1] =	wrdreg $0xFFFFFFFF  }
0xae: {  	[dreg:$0x0] =	wrdreg $0x60  }
0xaf: {  	[dreg:$0x2] =	wrdreg s2  }
0xb0: {  	[dreg:$0x3] =	wrdreg s18  }
0xb1: {  	[dreg:$0x4] =	wrdreg s24  }
0xb2: {  	[dreg:$0x5] =	wrdreg $0x9  }
0xb3: {  	_ =	task.clear_ibuf [dreg:s8], $0x6FFFF;
	_ =	strace $0x90000046  }
0xb4: {  	s29 =	simm.s32 $0x9;
	_ =	strace $0x80000048  }
0xb5: {  	_ =	swait.ge [sflag:s29], $0x1  }
0xb6: {  	[sflag:s29] =	ssyncadd.s32 $0xFFFFFFFF  }
0xb7: {  	_ =	strace $0x90000048  }
0xb8: {  	_ =	sfence  }
0xb9: {  	s30 =	sld [smem:$0x0];
	_ =	sdelay $0x2  }
0xba: {  	s31 =	sshll.u32 s1, $0xD;
	s1 =	sshrl.u32 s1, $0x2  }
0xbb: {  	s3 =	sand.u32 $0x4000, s31;
	s1 =	sadd.s32 s1, s30  }
0xbc: {  	s0 =	sor.u32 s3, s0;
	s1 =	sshll.u32 s1, $0x11  }
0xbd: {  	s0 =	sor.u32 s1, s0  }
0xbe: {  	s0 =	sadd.s32 $0x8F2B, s0  }
0xbf: {  	[sflag:s0] =	ssyncadd.remote.s32 $0x1  }
0xc0: {  	_ =	sfence.sel $0xFFFF  }
0xc1: {  	[dreg:$0x0] =	wrdreg $0xFFFFFFFF;
	(pc) =	sbr.abs _section_cstart, $3  }
0xc2: {  	[dreg:$0x1] =	wrdreg $0xFFFFFFFF  }
0xc3: {  	_ =	task.clear_ibuf [dreg:s8], $0x2FFFF;
	_ =	strace $0x9FFFFFFF  }
0xc4: {  	(tm) =	ssettm $0x7FFFFFFF  }
0xc5: {  	_ =	shalt  }
tec
execute0_lowered:
.L_overlay_start_1:
0x0: {  	(tag) =	ssettag $0x1  }
0x1: {  	s2 =	rddreg [dreg:$0x0]  }
0x2: {  	s5 =	rddreg [dreg:$0x1]  }
0x3: {  	s4 =	rddreg [dreg:$0x2]  }
0x4: {  	s0 =	stileid.u32;
	s3 =	srdreg.scid  }
0x5: {  	s1 =	rddreg [dreg:$0x3];
	s12 =	simm.s32 $0x80;
	s13 =	simm.s32 $0x3A00  }
0x6: {  	s14 =	simm.s32 $0xBA00;
	s15 =	simm.s32 $0x7A00;
	s16 =	simm.s32 $0xFA00  }
0x7: {  	s17 =	simm.s32 $0x1;
	s18 =	simm.s32 $0x3;
	s19 =	simm.s32 $0x2  }
0x8: {  	s20 =	simm.s32 $0x4;
	s21 =	simm.s32 $0x0;
	s6 =	smul.u32 $0x3A, s0  }
0x9: {  	s7 =	sand.u32 $0x1, s3;
	s8 =	smul.u32 $0x16, s0;
	s3 =	simm.s32 $0x0  }
0xa: {  	p0 =	seq.s32 s7, $0x0;
	[smem:$0x7FF] =	sst s3;
	s7 =	ssub.s32 $0x2, s7  }
0xb: {  	s6 =	sadd.s32 $0x160, s6;
	_ =	strace $0x80000047;
	s10 =	sshrl.u32 s7, $0x1  }
0xc: {  	s8 =	smov.u32 @p0 s6;
	s7 =	ssub.s32 s7, s10;
	s10 =	simm.s32 $0x5  }
0xd: {  	s6 =	sshll.u32 s8, $0x4;
	s8 =	sshll.u32 s8, $0xB;
	s7 =	smax.u32 s7, $0x1  }
0xe: {  	s9 =	sadd.s32 s6, s4;
	s11 =	sadd.s32 s8, s4;
	s4 =	simm.s32 $0x7400  }
0xf: {  	s5 =	sadd.s32 s5, s6;
	s6 =	sadd.s32 $0x2400, s9;
	s4 =	simm.s32 @!p0 $0x2C00  }
0x10: {  	s8 =	sadd.s32 $0xCC00, s11;
	s9 =	sadd.s32 $0x28CC00, s11;
	s11 =	simm.s32 $0x1D00  }
.LBB2_1:
0x11: {  	[tilespmem:s3], [sflag:$0x5] =	stream.linear.gather [hbm4b:s5+s3], $0x1D00, $0x38;
	[tilespmem:$0x13A00] =	vst v63  }
0x12: {  	_ =	swait.ge [sflag:s10], $0x1D00  }
0x13: {  	p1 =	sne.s32 s4, $0x400;
	[sflag:s10] =	ssyncset.done $0x0  }
.Ltmp0:
0x14: {  	[sflag:s10] =	ssyncadd.s32 $0xFFFFE300;
	(pc) =	sbr.rel @!p1 .LBB2_6-.Ltmp0, $4  }
0x15: {  	[tilespmem:s11], [sflag:$0x5] =	stream.linear.gather [hbm4b:s6+s3], $0x1D00, $0x38;
	[tilespmem:$0x13A00] =	vst v63  }
0x16: {  	s22 =	simm.s32 $0x400;
	_ =	swait.ge [sflag:s10], $0x1D00  }
0x17: {  	p0 =	por $0x0, $0x0;
	s25 =	simm.s32 $0x0;
	[sflag:s10] =	ssyncset.done $0x0  }
0x18: {  	s24 =	smov.u32 s8;
	s23 =	smov.u32 s9;
	[sflag:s10] =	ssyncadd.s32 $0xFFFFE300  }
0x19: {  	s23 =	simm.s32 $0x0  }
0x1a: {  	[tilespmem:s13], [sflag:$0x1] =	stream.indirect.gather [hbm4b:s2+s12], $0x80, s23, s12, $0xb8;
	[tilespmem:$0x13A00] =	vst v63  }
0x1b: {  	s26 =	simm.s32 $0x1D00  }
0x1c: {  	[tilespmem:s14], [sflag:$0x3] =	stream.indirect.gather [hbm4b:s2+s12], $0x80, s26, s12, $0xb8;
	[tilespmem:$0x13A00] =	vst v63  }
0x1d: {  	s28 =	simm.s32 $0x80  }
0x1e: {  	[tilespmem:s15], [sflag:$0x2] =	stream.indirect.gather [hbm4b:s2+s12], $0x80, s28, s12, $0xb8;
	[tilespmem:$0x13A00] =	vst v63  }
0x1f: {  	s29 =	simm.s32 $0x1D80  }
0x20: {  	[tilespmem:s16], [sflag:$0x4] =	stream.indirect.gather [hbm4b:s2+s12], $0x80, s29, s12, $0xb8;
	[tilespmem:$0x13A00] =	vst v63  }
0x21: {  	_ =	swait.ge [sflag:s17], $0x4000  }
0x22: {  	[sflag:s17] =	ssyncset.done $0x0  }
0x23: {  	s30 =	sadd.s32 $0xFFFFF800, s8;
	[sflag:s17] =	ssyncadd.s32 $0xFFFFC000  }
0x24: {  	[hbm4b:s30+s3] =	stream.linear.scatter [tilespmem:s13], [sflag:$0x5], $0x4000, $0x38;
	[tilespmem:$0x13A00] =	vst v63  }
0x25: {  	_ =	swait.ge [sflag:s10], $0x4000  }
0x26: {  	[sflag:s10] =	ssyncset.done $0x0  }
0x27: {  	[sflag:s10] =	ssyncadd.s32 $0xFFFFC000  }
0x28: {  	_ =	swait.ge [sflag:s18], $0x4000  }
0x29: {  	[sflag:s18] =	ssyncset.done $0x0  }
0x2a: {  	s31 =	sadd.s32 $0xFFFFF800, s9;
	[sflag:s18] =	ssyncadd.s32 $0xFFFFC000  }
0x2b: {  	[hbm4b:s31+s3] =	stream.linear.scatter [tilespmem:s14], [sflag:$0x5], $0x4000, $0x38;
	[tilespmem:$0x13A00] =	vst v63  }
0x2c: {  	_ =	swait.ge [sflag:s10], $0x4000  }
0x2d: {  	[sflag:s10] =	ssyncset.done $0x0  }
0x2e: {  	[sflag:s10] =	ssyncadd.s32 $0xFFFFC000  }
0x2f: {  	_ =	swait.ge [sflag:s19], $0x4000  }
0x30: {  	[sflag:s19] =	ssyncset.done $0x0  }
0x31: {  	[sflag:s19] =	ssyncadd.s32 $0xFFFFC000  }
0x32: {  	[hbm4b:s8+s3] =	stream.linear.scatter [tilespmem:s15], [sflag:$0x5], $0x4000, $0x38;
	[tilespmem:$0x13A00] =	vst v63  }
0x33: {  	_ =	swait.ge [sflag:s10], $0x4000  }
0x34: {  	[sflag:s10] =	ssyncset.done $0x0  }
0x35: {  	[sflag:s10] =	ssyncadd.s32 $0xFFFFC000  }
0x36: {  	p1 =	sne.s32 s4, $0x800;
	_ =	swait.ge [sflag:s20], $0x4000  }
.Ltmp1:
0x37: {  	[sflag:s20] =	ssyncset.done $0x0;
	(pc) =	sbr.rel @!p1 .LBB2_3-.Ltmp1, $4  }
0x38: {  	[sflag:s20] =	ssyncadd.s32 $0xFFFFC000  }
0x39: {  	[hbm4b:s9+s3] =	stream.linear.scatter [tilespmem:s16], [sflag:$0x5], $0x4000, $0x38;
	[tilespmem:$0x13A00] =	vst v63  }
0x3a: {  	s25 =	simm.s32 $0x800;
	s24 =	sadd.s32 $0x1000, s8;
	_ =	swait.ge [sflag:s10], $0x4000  }
0x3b: {  	p0 =	por $0x1, $0x1;
	s23 =	sadd.s32 $0x1000, s9;
	[sflag:s10] =	ssyncset.done $0x0  }
.LBB2_4:
0x3c: {  	s26 =	sshra.s32 s22, $0x2  }
0x3d: {  	[sflag:s10] =	ssyncadd.s32 $0xFFFFC000;
	s22 =	smov.u32 s25;
	s25 =	sadd.s32 $0x400, s25  }
0x3e: {  	[tilespmem:s13], [sflag:$0x1] =	stream.indirect.gather [hbm4b:s2+s12], $0x80, s26, s12, $0xb8;
	[tilespmem:$0x13A00] =	vst v63  }
0x3f: {  	p1 =	sne.s32 s4, s25;
	s28 =	sadd.s32 $0x1D00, s26  }
0x40: {  	[tilespmem:s14], [sflag:$0x3] =	stream.indirect.gather [hbm4b:s2+s12], $0x80, s28, s12, $0xb8;
	[tilespmem:$0x13A00] =	vst v63  }
0x41: {  	s28 =	sadd.s32 $0x80, s26  }
0x42: {  	[tilespmem:s15], [sflag:$0x2] =	stream.indirect.gather [hbm4b:s2+s12], $0x80, s28, s12, $0xb8;
	[tilespmem:$0x13A00] =	vst v63  }
0x43: {  	s26 =	sadd.s32 $0x1D80, s26  }
0x44: {  	[tilespmem:s16], [sflag:$0x4] =	stream.indirect.gather [hbm4b:s2+s12], $0x80, s26, s12, $0xb8;
	[tilespmem:$0x13A00] =	vst v63  }
0x45: {  	_ =	swait.ge [sflag:s17], $0x4000  }
0x46: {  	[sflag:s17] =	ssyncset.done $0x0  }
0x47: {  	s26 =	sadd.s32 $0xFFFFF800, s24;
	[sflag:s17] =	ssyncadd.s32 $0xFFFFC000  }
0x48: {  	[hbm4b:s26+s3] =	stream.linear.scatter [tilespmem:s13], [sflag:$0x5], $0x4000, $0x38;
	[tilespmem:$0x13A00] =	vst v63  }
0x49: {  	_ =	swait.ge [sflag:s10], $0x4000  }
0x4a: {  	[sflag:s10] =	ssyncset.done $0x0  }
0x4b: {  	[sflag:s10] =	ssyncadd.s32 $0xFFFFC000  }
0x4c: {  	_ =	swait.ge [sflag:s18], $0x4000  }
0x4d: {  	[sflag:s18] =	ssyncset.done $0x0  }
0x4e: {  	s26 =	sadd.s32 $0xFFFFF800, s23;
	[sflag:s18] =	ssyncadd.s32 $0xFFFFC000  }
0x4f: {  	[hbm4b:s26+s3] =	stream.linear.scatter [tilespmem:s14], [sflag:$0x5], $0x4000, $0x38;
	[tilespmem:$0x13A00] =	vst v63  }
0x50: {  	_ =	swait.ge [sflag:s10], $0x4000  }
0x51: {  	[sflag:s10] =	ssyncset.done $0x0  }
0x52: {  	[sflag:s10] =	ssyncadd.s32 $0xFFFFC000  }
0x53: {  	_ =	swait.ge [sflag:s19], $0x4000  }
0x54: {  	[sflag:s19] =	ssyncset.done $0x0  }
0x55: {  	[sflag:s19] =	ssyncadd.s32 $0xFFFFC000  }
0x56: {  	[hbm4b:s24+s3] =	stream.linear.scatter [tilespmem:s15], [sflag:$0x5], $0x4000, $0x38;
	[tilespmem:$0x13A00] =	vst v63  }
0x57: {  	_ =	swait.ge [sflag:s10], $0x4000  }
0x58: {  	[sflag:s10] =	ssyncset.done $0x0  }
0x59: {  	[sflag:s10] =	ssyncadd.s32 $0xFFFFC000  }
0x5a: {  	_ =	swait.ge [sflag:s20], $0x4000  }
.Ltmp2:
0x5b: {  	[sflag:s20] =	ssyncset.done $0x0;
	(pc) =	sbr.rel @p1 .LBB2_4-.Ltmp2, $4  }
0x5c: {  	[sflag:s20] =	ssyncadd.s32 $0xFFFFC000  }
0x5d: {  	[hbm4b:s23+s3] =	stream.linear.scatter [tilespmem:s16], [sflag:$0x5], $0x4000, $0x38;
	[tilespmem:$0x13A00] =	vst v63  }
0x5e: {  	_ =	swait.ge [sflag:s10], $0x4000  }
0x5f: {  	s24 =	sadd.s32 $0x1000, s24;
	s23 =	sadd.s32 $0x1000, s23;
	[sflag:s10] =	ssyncset.done $0x0  }
0x60: {  	s25 =	smov.u32 s22  }
.LBB2_6:
0x61: {  	s22 =	sshra.s32 s25, $0x2;
	[sflag:s10] =	ssyncadd.s32 @p0 $0xFFFFC000  }
0x62: {  	[tilespmem:s13], [sflag:$0x1] =	stream.indirect.gather [hbm4b:s2+s12], $0x80, s22, s12, $0xb8;
	[tilespmem:$0x13A00] =	vst v63  }
0x63: {  	s25 =	sadd.s32 $0x1D00, s22  }
0x64: {  	[tilespmem:s14], [sflag:$0x3] =	stream.indirect.gather [hbm4b:s2+s12], $0x80, s25, s12, $0xb8;
	[tilespmem:$0x13A00] =	vst v63  }
0x65: {  	s29 =	sadd.s32 $0x80, s22  }
0x66: {  	[tilespmem:s15], [sflag:$0x2] =	stream.indirect.gather [hbm4b:s2+s12], $0x80, s29, s12, $0xb8;
	[tilespmem:$0x13A00] =	vst v63  }
0x67: {  	s22 =	sadd.s32 $0x1D80, s22  }
0x68: {  	[tilespmem:s16], [sflag:$0x4] =	stream.indirect.gather [hbm4b:s2+s12], $0x80, s22, s12, $0xb8;
	[tilespmem:$0x13A00] =	vst v63  }
0x69: {  	_ =	swait.ge [sflag:s17], $0x4000  }
0x6a: {  	[sflag:s17] =	ssyncset.done $0x0  }
0x6b: {  	s30 =	sadd.s32 $0xFFFFF800, s24;
	[sflag:s17] =	ssyncadd.s32 $0xFFFFC000  }
0x6c: {  	[hbm4b:s30+s3] =	stream.linear.scatter [tilespmem:s13], [sflag:$0x5], $0x4000, $0x38;
	[tilespmem:$0x13A00] =	vst v63  }
0x6d: {  	_ =	swait.ge [sflag:s10], $0x4000  }
0x6e: {  	[sflag:s10] =	ssyncset.done $0x0  }
0x6f: {  	[sflag:s10] =	ssyncadd.s32 $0xFFFFC000  }
0x70: {  	_ =	swait.ge [sflag:s18], $0x4000  }
0x71: {  	[sflag:s18] =	ssyncset.done $0x0  }
0x72: {  	s31 =	sadd.s32 $0xFFFFF800, s23;
	[sflag:s18] =	ssyncadd.s32 $0xFFFFC000  }
0x73: {  	[hbm4b:s31+s3] =	stream.linear.scatter [tilespmem:s14], [sflag:$0x5], $0x4000, $0x38;
	[tilespmem:$0x13A00] =	vst v63  }
0x74: {  	_ =	swait.ge [sflag:s10], $0x4000  }
0x75: {  	[sflag:s10] =	ssyncset.done $0x0  }
0x76: {  	[sflag:s10] =	ssyncadd.s32 $0xFFFFC000  }
0x77: {  	_ =	swait.ge [sflag:s19], $0x4000  }
0x78: {  	[sflag:s19] =	ssyncset.done $0x0  }
0x79: {  	[sflag:s19] =	ssyncadd.s32 $0xFFFFC000  }
0x7a: {  	[hbm4b:s24+s3] =	stream.linear.scatter [tilespmem:s15], [sflag:$0x5], $0x4000, $0x38;
	[tilespmem:$0x13A00] =	vst v63  }
0x7b: {  	_ =	swait.ge [sflag:s10], $0x4000  }
0x7c: {  	[sflag:s10] =	ssyncset.done $0x0  }
0x7d: {  	[sflag:s10] =	ssyncadd.s32 $0xFFFFC000  }
0x7e: {  	_ =	swait.ge [sflag:s20], $0x4000  }
0x7f: {  	s21 =	sadd.s32 $0x1, s21;
	[sflag:s20] =	ssyncset.done $0x0  }
0x80: {  	p0 =	sne.s32 s21, s7;
	[sflag:s20] =	ssyncadd.s32 $0xFFFFC000  }
0x81: {  	[hbm4b:s23+s3] =	stream.linear.scatter [tilespmem:s16], [sflag:$0x5], $0x4000, $0x38;
	[tilespmem:$0x13A00] =	vst v63  }
.Ltmp3:
0x82: {  	_ = 	snop;
	(pc) =	sbr.rel @p0 .LBB2_1-.Ltmp3, $4  }
.Ltmp4:
0x83: {  	_ = 	snop;
	(pc) =	sbr.rel @!p0 .LBB2_7-.Ltmp4, $4  }
0x84: {  	_ =	swait.ge [sflag:s10], $0x4000  }
0x85: {  	[sflag:s10] =	ssyncset.done $0x0  }
0x86: {  	[sflag:s10] =	ssyncadd.s32 $0xFFFFC000  }
0x87: {  	_ = 	snop  }
.LBB2_3:
.Ltmp5:
0x88: {  	(pc) =	sbr.rel .LBB2_6-.Ltmp5, $2  }
0x89: {  	_ =	sdelay $0x2  }
0x8a: {  	s25 =	simm.s32 $0x400  }
.LBB2_7:
0x8b: {  	_ =	sfence.sel $0x180000  }
0x8c: {  	[bflag:$0x0] =	sbarrier.arrive $0xFFFF  }
0x8d: {  	p0 =	sne.s32 s0, $0x0;
	_ =	strace $0x90000047  }
0x8e: {  	s0 =	sadd.s32 @!p0 $0x100000, s1;
	[bflag:$0x2] =	sbarrier.arrive $0xFFFF  }
0x8f: {  	[sflag:s0] =	ssyncadd.tile.s32 @!p0 $0x1;
	_ =	shalt  }
.Lfunc_end2:
_tile_overlayer_lowered:
.L_overlay_start_2:
0x90: {  	(tag) =	ssettag $0x2  }
0x91: {  	s0 =	rddreg [dreg:$0x0];
	s2 =	stileid.u32  }
0x92: {  	s1 =	rddreg [dreg:$0x1];
	p0 =	sne.s32 s2, $0x0  }
0x93: {  	s3 =	rddreg [dreg:$0x2];
	[bflag:$0x3] =	sbarrier.arrive $0xFFFF;
	s2 =	simm.s32 @!p0 $0x1C05  }
0x94: {  	[timem:s3], [sflag:s2] =	dma.local @!p0 [hbm:s0], s1  }
0x95: {  	s0 =	simm.s32 @!p0 $0x5  }
0x96: {  	_ =	swait.ge @!p0 [sflag:s0], s1  }
0x97: {  	s1 =	ssub.s32 @!p0 $0x0, s1;
	[sflag:s0] =	ssyncset.done @!p0 $0x0  }
0x98: {  	[sflag:s0] =	ssyncadd.s32 @!p0 s1  }
0x99: {  	[bflag:$0x3] =	sbarrier.arrive $0xFFFF  }
0x9a: {  	_ =	shalt  }

// kernel: kernel.9.cloned.1.call-start
scs
__scs_entry_jumppad:
0x0: {  	(pc) =	sbr.rel $0x88, $3  }
0x1: {  	(tag) =	ssettag $0x0;
	lr =	simm.s32 $0x1  }
0x2: {  	[smem:$0x3F95] =	sst lr;
	_ =	strace $0xD0000000  }
0x3: {  	_ = 	snop  }
0x4: {  	_ = 	snop  }
0x5: {  	_ = 	snop  }
0x6: {  	_ = 	snop  }
0x7: {  	_ = 	snop  }
__scs_overlays_trampoline_lowered:
0x8: {  	[smem:$0x3FA4] =	sst s0  }
0x9: {  	[smem:$0x3FA5] =	sst s1  }
0xa: {  	[smem:$0x3FA6] =	sst s2  }
0xb: {  	[smem:$0x3FA7] =	sst s3  }
0xc: {  	[smem:$0x3FA8] =	sst s4  }
0xd: {  	[smem:$0x3FA9] =	sst s5  }
0xe: {  	[smem:$0x3FAA] =	sst s6  }
0xf: {  	[smem:$0x3FAB] =	sst s7  }
0x10: {  	[smem:$0x3FAC] =	sst s8  }
0x11: {  	[smem:$0x3FAD] =	sst s9;
	s0 =	simm.s32 @!p0 $0x0  }
0x12: {  	s1 =	sld [smem:$0x3F93];
	s0 =	simm.s32 @p0 $0x1  }
0x13: {  	[smem:$0x3FAE] =	sst s0;
	s0 =	simm.s32 @!p1 $0x0  }
0x14: {  	s2 =	sld [smem:$0x3F92];
	s0 =	simm.s32 @p1 $0x1  }
0x15: {  	[smem:$0x3FAF] =	sst s0;
	s0 =	simm.s32 @!p2 $0x0  }
0x16: {  	s3 =	sld [smem:$0x3FDB];
	s0 =	simm.s32 @p2 $0x1  }
0x17: {  	s4 =	simm.s32 $0x1BF5;
	[smem:$0x3FB1] =	sst s0  }
0x18: {  	s0 =	sld [smem:$0x3F94];
	_ =	swait.ge [sflag:s4], $0x0  }
0x19: {  	s7 =	sld [smem:$0x3F95]  }
0x1a: {  	s8 =	sadd.s32 $0xFFFFE003, lr  }
0x1b: {  	s9 =	sadd.s32 $0xFFFFFEF7, lr;
	s5 =	simm.s32 $0xFFFFFFFF;
	p2 =	slt.u32 s8, $0xFFFFF086  }
0x1c: {  	p1 =	slt.u32 s9, $0xF7A;
	s5 =	simm.s32 @!p2 $0x0  }
0x1d: {  	s5 =	simm.s32 @p1 $0x1;
	p0 =	seq.s32 s7, s2  }
0x1e: {  	s7 =	smul.u32 @!p0 $0xF7A, s2;
	p2 =	seq.s32 @!p0 s5, $0x0  }
0x1f: {  	s9 =	smul.u32 $0xF7A, s1;
	s8 =	simm.s32 @!p0 $0x1BF5;
	p2 =	por !p2, p0  }
0x20: {  	[sflag:s8] =	ssyncset.s32 @!p0 $0xFFFFF086;
	s6 =	sadd.s32 @!p0 s3, s7;
	s7 =	simm.s32 @!p0 $0x108  }
0x21: {  	s3 =	sadd.s32 s3, s9;
	s6 =	sadd.s32 @!p0 $0x88, s6;
	s7 =	simm.s32 @p2 $0x1082  }
0x22: {  	[simem:s7], [sflag:s8] =	dma.local @!p0 [hbm:s6], $0xF7A  }
0x23: {  	s9 =	sor.u32 $0xD0000000, s2;
	s6 =	simm.s32 $0x108;
	_ =	swait.ge @!p0 [sflag:s8], $0x0  }
0x24: {  	s3 =	sadd.s32 $0x88, s3;
	s6 =	simm.s32 @!p1 $0x1082;
	[sflag:s4] =	ssyncset.s32 $0xFFFFF086  }
0x25: {  	[simem:s6], [sflag:s4] =	dma.local [hbm:s3], $0xF7A  }
0x26: {  	[smem:$0x3F95] =	sst s1;
	(tag) =	ssettag s2;
	_ =	strace s9  }
0x27: {  	s1 =	sld [smem:$0x3FA5]  }
0x28: {  	s2 =	sld [smem:$0x3FA6]  }
0x29: {  	s4 =	sld [smem:$0x3FA8]  }
0x2a: {  	p0 =	seq.s32 s5, $0x0;
	s5 =	sld [smem:$0x3FA9]  }
0x2b: {  	s6 =	sld [smem:$0x3FAA]  }
0x2c: {  	s7 =	sld [smem:$0x3FAB]  }
0x2d: {  	s3 =	simm.s32 $0x108;
	s8 =	sld [smem:$0x3FAC]  }
0x2e: {  	s3 =	simm.s32 @!p0 $0x1082;
	s9 =	sld [smem:$0x3FAD]  }
0x2f: {  	lr =	sadd.s32 s0, s3;
	s0 =	sld [smem:$0x3FA4]  }
0x30: {  	s3 =	sld [smem:$0x3FA7]  }
0x31: {  	[smem:$0x3FB0] =	sst s10  }
0x32: {  	s10 =	sld [smem:$0x3FAE];
	_ =	sdelay $0x3  }
0x33: {  	p0 =	seq.s32 s10, $0x1;
	s10 =	sld [smem:$0x3FB0];
	_ =	sdelay $0x3  }
0x34: {  	[smem:$0x3FB0] =	sst s10  }
0x35: {  	s10 =	sld [smem:$0x3FAF];
	_ =	sdelay $0x3  }
0x36: {  	p1 =	seq.s32 s10, $0x1;
	s10 =	sld [smem:$0x3FB0];
	_ =	sdelay $0x3  }
0x37: {  	[smem:$0x3FB0] =	sst s10  }
0x38: {  	s10 =	sld [smem:$0x3FB1]  }
0x39: {  	_ = 	snop;
	(pc) =	sbr.ind lr, $3  }
0x3a: {  	_ = 	snop  }
0x3b: {  	_ = 	snop  }
0x3c: {  	p2 =	seq.s32 s10, $0x1;
	s10 =	sld [smem:$0x3FB0]  }
0x3d: {  	_ =	shalt  }
0x3e: {  	_ =	shalt  }
0x3f: {  	_ =	shalt  }
0x40: {  	_ =	shalt  }
0x41: {  	_ =	shalt  }
0x42: {  	_ =	shalt  }
0x43: {  	_ =	shalt  }
0x44: {  	_ =	shalt  }
0x45: {  	_ =	shalt  }
0x46: {  	_ =	shalt  }
0x47: {  	_ =	shalt  }
0x48: {  	_ =	shalt  }
0x49: {  	_ =	shalt  }
0x4a: {  	_ =	shalt  }
0x4b: {  	_ =	shalt  }
0x4c: {  	_ =	shalt  }
0x4d: {  	_ =	shalt  }
0x4e: {  	_ =	shalt  }
0x4f: {  	_ =	shalt  }
0x50: {  	_ =	shalt  }
0x51: {  	_ =	shalt  }
0x52: {  	_ =	shalt  }
0x53: {  	_ =	shalt  }
0x54: {  	_ =	shalt  }
0x55: {  	_ =	shalt  }
0x56: {  	_ =	shalt  }
0x57: {  	_ =	shalt  }
0x58: {  	_ =	shalt  }
0x59: {  	_ =	shalt  }
0x5a: {  	_ =	shalt  }
0x5b: {  	_ =	shalt  }
0x5c: {  	_ =	shalt  }
0x5d: {  	_ =	shalt  }
0x5e: {  	_ =	shalt  }
0x5f: {  	_ =	shalt  }
0x60: {  	_ =	shalt  }
0x61: {  	_ =	shalt  }
0x62: {  	_ =	shalt  }
0x63: {  	_ =	shalt  }
0x64: {  	_ =	shalt  }
0x65: {  	_ =	shalt  }
0x66: {  	_ =	shalt  }
0x67: {  	_ =	shalt  }
0x68: {  	_ =	shalt  }
0x69: {  	_ =	shalt  }
0x6a: {  	_ =	shalt  }
0x6b: {  	_ =	shalt  }
0x6c: {  	_ =	shalt  }
0x6d: {  	_ =	shalt  }
0x6e: {  	_ =	shalt  }
0x6f: {  	_ =	shalt  }
0x70: {  	_ =	shalt  }
0x71: {  	_ =	shalt  }
0x72: {  	_ =	shalt  }
0x73: {  	_ =	shalt  }
0x74: {  	_ =	shalt  }
0x75: {  	_ =	shalt  }
0x76: {  	_ =	shalt  }
0x77: {  	_ =	shalt  }
0x78: {  	_ =	shalt  }
0x79: {  	_ =	shalt  }
0x7a: {  	_ =	shalt  }
0x7b: {  	_ =	shalt  }
0x7c: {  	_ =	shalt  }
0x7d: {  	_ =	shalt  }
0x7e: {  	_ =	shalt  }
0x7f: {  	_ =	shalt  }
0x80: {  	_ =	shalt  }
0x81: {  	_ =	shalt  }
0x82: {  	_ =	shalt  }
0x83: {  	_ =	shalt  }
0x84: {  	_ =	shalt  }
0x85: {  	_ =	shalt  }
0x86: {  	_ =	shalt  }
0x87: {  	_ =	shalt  }
.Lfunc_end0:
.L_simem_size_0:
called_computation.1_lowered:
.L_overlay_start_0:
0x88: {  	s2 =	sld [smem:$0x3FD9]  }
0x89: {  	s3 =	sld [smem:$0x3FFE];
	_ =	sdelay $0x1  }
0x8a: {  	s1 =	srdreg.scid  }
0x8b: {  	s0 =	sand.u32 $0x1, s1  }
0x8c: {  	s17 =	sshll.u32 s0, $0xA;
	s2 =	sadd.s32 s3, s2  }
0x8d: {  	s2 =	sadd.s32 s2, s17  }
0x8e: {  	[smem:$0x3FBC] =	sst s2  }
0x8f: {  	_ = 	snop  }
0x90: {  	s2 =	sld [smem:$0x3FD0];
	(tm) =	ssettm $0x1  }
0x91: {  	s18 =	sld [smem:$0x3FFB];
	_ =	sdelay $0x3  }
0x92: {  	_ =	strace s18  }
0x93: {  	s3 =	sld [smem:$0x3FFC];
	_ =	sdelay $0x3  }
0x94: {  	_ =	strace s3  }
0x95: {  	s3 =	sld [smem:$0x3FFD];
	_ =	sdelay $0x3  }
0x96: {  	_ =	strace s3  }
0x97: {  	_ =	strace $0x8FFFFFFF  }
0x98: {  	s19 =	sld [smem:$0x3FDB];
	_ =	sdelay $0x1  }
0x99: {  	s4 =	simm.s32 $_scs_section_size  }
0x9a: {  	s5 =	simm.s32 $_size__tile_overlayer_lowered;
	s6 =	simm.s32 $_tile_overlayer_lowered  }
0x9b: {  	s22 =	simm.s32 $0x1BFF;
	s21 =	sshll.u32 s6, $0x1;
	s3 =	sadd.s32 s4, s19  }
0x9c: {  	s7 =	simm.s32 $0x0;
	s20 =	sshll.u32 s5, $0x1;
	s5 =	sadd.s32 s21, s3  }
0x9d: {  	[timem:s7], [sflag:s22] =	dma.local [hbm:s5], s20  }
0x9e: {  	_ =	swait.ge [sflag:s22], s20  }
0x9f: {  	s4 =	ssub.s32 $0x0, s20;
	[sflag:s22] =	ssyncset.done $0x0  }
0xa0: {  	[sflag:s22] =	ssyncadd.s32 s4;
	_ =	sdelay $0x1  }
0xa1: {  	s23 =	simm.s32 $0x1B8B  }
0xa2: {  	_ =	swait.ge [sflag:s23], $0x1  }
0xa3: {  	[sflag:s23] =	ssyncset.done $0x0  }
0xa4: {  	s25 =	simm.s32 $0x1B8E;
	s24 =	sld [smem:$0x3FFE];
	[sflag:s23] =	ssyncadd.s32 $0xFFFFFFFF  }
0xa5: {  	s26 =	simm.s32 $execute0_lowered;
	[smem:$0x3FD2] =	sst s25  }
0xa6: {  	s5 =	sshll.u32 s26, $0x1;
	_ =	strace $0x80000049;
	[dreg:$0x1] =	wrdreg $0xFFFFFFFF  }
0xa7: {  	s28 =	simm.s32 $_size_execute0_lowered;
	s3 =	sadd.s32 s3, s5;
	[dreg:$0x0] =	wrdreg $0x0  }
0xa8: {  	s5 =	sshll.u32 s28, $0x1;
	[dreg:$0x2] =	wrdreg s3  }
0xa9: {  	[dreg:$0x3] =	wrdreg s5  }
0xaa: {  	[dreg:$0x4] =	wrdreg $0xC0  }
0xab: {  	_ =	task [dreg:s7], $0x5FFFF  }
0xac: {  	[dreg:$0x1] =	wrdreg $0xFFFFFFFF  }
0xad: {  	[dreg:$0x0] =	wrdreg $0x60  }
0xae: {  	[dreg:$0x2] =	wrdreg s24  }
0xaf: {  	[dreg:$0x3] =	wrdreg s2  }
0xb0: {  	[dreg:$0x4] =	wrdreg $0xA9000  }
0xb1: {  	[dreg:$0x5] =	wrdreg $0x9  }
0xb2: {  	_ =	task.clear_ibuf [dreg:s7], $0x6FFFF;
	_ =	strace $0x90000049  }
0xb3: {  	s29 =	simm.s32 $0x9;
	_ =	strace $0x8000004B  }
0xb4: {  	_ =	swait.ge [sflag:s29], $0x1  }
0xb5: {  	[sflag:s29] =	ssyncadd.s32 $0xFFFFFFFF  }
0xb6: {  	_ =	strace $0x9000004B  }
0xb7: {  	_ =	sfence  }
0xb8: {  	s30 =	sld [smem:$0x0];
	_ =	sdelay $0x2  }
0xb9: {  	s31 =	sshll.u32 s1, $0xD;
	s1 =	sshrl.u32 s1, $0x2  }
0xba: {  	s3 =	sand.u32 $0x4000, s31;
	s1 =	sadd.s32 s1, s30  }
0xbb: {  	s0 =	sor.u32 s3, s0;
	s1 =	sshll.u32 s1, $0x11  }
0xbc: {  	s0 =	sor.u32 s1, s0  }
0xbd: {  	s0 =	sadd.s32 $0x8F2B, s0  }
0xbe: {  	[sflag:s0] =	ssyncadd.remote.s32 $0x1  }
0xbf: {  	_ =	sfence.sel $0xFFFF  }
0xc0: {  	[dreg:$0x0] =	wrdreg $0xFFFFFFFF;
	(pc) =	sbr.abs _section_cstart, $3  }
0xc1: {  	[dreg:$0x1] =	wrdreg $0xFFFFFFFF  }
0xc2: {  	_ =	task.clear_ibuf [dreg:s7], $0x2FFFF;
	_ =	strace $0x9FFFFFFF  }
0xc3: {  	(tm) =	ssettm $0x7FFFFFFF  }
tec
execute0_lowered:
.L_overlay_start_1:
0x0: {  	(tag) =	ssettag $0x1  }
0x1: {  	s6 =	rddreg [dreg:$0x0]  }
0x2: {  	s8 =	rddreg [dreg:$0x1]  }
0x3: {  	s2 =	rddreg [dreg:$0x2]  }
0x4: {  	s0 =	rddreg [dreg:$0x3]  }
0x5: {  	s1 =	stileid.u32;
	s3 =	simm.s32 $0x0;
	s5 =	srdreg.scid  }
0x6: {  	s18 =	simm.s32 $0x4100;
	s19 =	simm.s32 $0x1;
	s20 =	simm.s32 $0x2  }
0x7: {  	s21 =	simm.s32 $0x0;
	s4 =	smul.u32 $0x28000, s1;
	[smem:$0x7FF] =	sst s3  }
0x8: {  	s9 =	sand.u32 $0x1, s5;
	s10 =	smul.u32 $0x2800, s1;
	s12 =	sadd.s32 $0x7400, s6  }
0x9: {  	s5 =	sadd.s32 $0x4C00, s6;
	s15 =	sshll.u32 s1, $0x1;
	s16 =	smul.u32 $0x50000, s1  }
0xa: {  	s26 =	sshll.u32 s1, $0x6;
	_ =	strace $0x8000004A;
	s7 =	smul.u32 $0x28000, s9  }
0xb: {  	s13 =	ssub.s32 $0x2, s9;
	s24 =	sor.u32 s9, s15;
	s28 =	smul.u32 $0x1400, s9  }
0xc: {  	s29 =	smul.u32 $0x14000, s9;
	s15 =	simm.s32 $0x8100;
	s11 =	sadd.s32 s4, s6  }
0xd: {  	s4 =	sadd.s32 $0x2400, s6;
	s14 =	sshrl.u32 s13, $0x1;
	s25 =	sshrl.u32 s16, $0x2  }
0xe: {  	s16 =	simm.s32 $0x80;
	s7 =	sadd.s32 s10, s7;
	s13 =	ssub.s32 s13, s14  }
0xf: {  	s17 =	sadd.s32 s25, s2;
	s14 =	smul.u32 $0x500, s24;
	s10 =	sadd.s32 s28, s10  }
0x10: {  	s11 =	sadd.s32 s29, s11;
	s7 =	sadd.s32 s7, s6;
	s6 =	sor.u32 $0x1C03, s26  }
0x11: {  	s9 =	smax.u32 s13, $0x1;
	s30 =	sor.u32 $0x80, s10;
	s31 =	sshrl.u32 s10, $0x3  }
0x12: {  	s10 =	sadd.s32 $0x78CC00, s11;
	s7 =	sadd.s32 $0xC400, s7;
	s13 =	sshrl.u32 s30, $0x3  }
0x13: {  	s8 =	sadd.s32 s8, s14;
	s14 =	simm.s32 $0x3;
	s11 =	sadd.s32 s13, s12  }
0x14: {  	v0 =	vimm.f32 $1.000000000e+00;
	s12 =	sadd.s32 s31, s12;
	s13 =	sshrl.u32 s17, $0x3;
	s17 =	simm.s32 $0x100  }
.LBB2_1:
0x15: {  	[spmem:s13], [sflag:s6] =	dma.local [hbm:s4], $0x2800  }
0x16: {  	_ =	swait.ge [sflag:s14], $0x2800  }
0x17: {  	[sflag:s14] =	ssyncset.done $0x0  }
0x18: {  	[sflag:s14] =	ssyncadd.s32 $0xFFFFD800  }
0x19: {  	[tilespmem:s15], [sflag:$0x3] =	stream.linear.gather [hbm4b:s5+s3], $0x2800, $0x38;
	[tilespmem:$0x1E900] =	vst v63  }
0x1a: {  	_ =	swait.ge [sflag:s14], $0x2800  }
0x1b: {  	[sflag:s14] =	ssyncset.done $0x0  }
0x1c: {  	[sflag:s14] =	ssyncadd.s32 $0xFFFFD800  }
0x1d: {  	s22 =	smov.u32 s10;
	s23 =	simm.s32 $0x0;
	[bflag:$0x0] =	sbarrier.arrive $0xFFFF  }
.LBB2_2:
0x1e: {  	s24 =	sadd.s32 s23, s12  }
0x1f: {  	[tilespmem:s3], [sflag:$0x3] =	stream.linear.gather [hbm4b:s24+s3], $0x80, $0x38;
	[tilespmem:$0x1E900] =	vst v63  }
0x20: {  	_ =	swait.ge [sflag:s14], $0x80  }
0x21: {  	[sflag:s14] =	ssyncset.done $0x0  }
0x22: {  	s30 =	sadd.s32 s23, s11;
	[sflag:s14] =	ssyncadd.s32 $0xFFFFFF80  }
0x23: {  	[tilespmem:s16], [sflag:$0x3] =	stream.linear.gather [hbm4b:s30+s3], $0x80, $0x38;
	[tilespmem:$0x1E900] =	vst v63  }
0x24: {  	_ =	swait.ge [sflag:s14], $0x80  }
0x25: {  	[sflag:s14] =	ssyncset.done $0x0  }
0x26: {  	s31 =	sadd.s32 $0xFFFFF800, s22;
	[sflag:s14] =	ssyncadd.s32 $0xFFFFFF80  }
0x27: {  	[tilespmem:s17], [sflag:$0x1] =	stream.linear.gather [hbm4b:s31+s3], $0x4000, $0x38;
	[tilespmem:$0x1E900] =	vst v63  }
0x28: {  	_ = 	snop  }
0x29: {  	[tilespmem:s18], [sflag:$0x2] =	stream.linear.gather [hbm4b:s22+s3], $0x4000, $0x38;
	[tilespmem:$0x1E900] =	vst v63  }
0x2a: {  	_ =	swait.ge [sflag:s19], $0x4000  }
0x2b: {  	[sflag:s19] =	ssyncset.done $0x0  }
0x2c: {  	[sflag:s19] =	ssyncadd.s32 $0xFFFFC000  }
0x2d: {  	[spmem:s2] =	stream.indirect.scatter.add.f32 [tilespmem:s17], [sflag:$0x3], $0x80, s3, s16, $0xb8;
	[tilespmem:$0x1E900] =	vst v63  }
0x2e: {  	_ =	swait.ge [sflag:s14], $0x4000  }
0x2f: {  	[sflag:s14] =	ssyncset.done $0x0  }
0x30: {  	[sflag:s14] =	ssyncadd.s32 $0xFFFFC000  }
0x31: {  	v1 =	vld [tilespmem:$0x0];
	_ =	sdelay $0x7  }
0x32: {  	[tilespmem:v1+s15+$0x0] =	vst.idx.add.f32.msk $0xffff, v0  }
0x33: {  	v1 =	vld [tilespmem:$0x10];
	_ =	sdelay $0x7  }
0x34: {  	[tilespmem:v1+s15+$0x0] =	vst.idx.add.f32.msk $0xffff, v0  }
0x35: {  	v1 =	vld [tilespmem:$0x20];
	_ =	sdelay $0x7  }
0x36: {  	[tilespmem:v1+s15+$0x0] =	vst.idx.add.f32.msk $0xffff, v0  }
0x37: {  	v1 =	vld [tilespmem:$0x30];
	_ =	sdelay $0x7  }
0x38: {  	[tilespmem:v1+s15+$0x0] =	vst.idx.add.f32.msk $0xffff, v0  }
0x39: {  	v1 =	vld [tilespmem:$0x40];
	_ =	sdelay $0x7  }
0x3a: {  	[tilespmem:v1+s15+$0x0] =	vst.idx.add.f32.msk $0xffff, v0  }
0x3b: {  	v1 =	vld [tilespmem:$0x50];
	_ =	sdelay $0x7  }
0x3c: {  	[tilespmem:v1+s15+$0x0] =	vst.idx.add.f32.msk $0xffff, v0  }
0x3d: {  	v1 =	vld [tilespmem:$0x60];
	_ =	sdelay $0x7  }
0x3e: {  	[tilespmem:v1+s15+$0x0] =	vst.idx.add.f32.msk $0xffff, v0  }
0x3f: {  	v1 =	vld [tilespmem:$0x70];
	_ =	sdelay $0x7  }
0x40: {  	[tilespmem:v1+s15+$0x0] =	vst.idx.add.f32.msk $0xffff, v0  }
0x41: {  	_ =	swait.ge [sflag:s20], $0x4000  }
0x42: {  	[sflag:s20] =	ssyncset.done $0x0  }
0x43: {  	[sflag:s20] =	ssyncadd.s32 $0xFFFFC000  }
0x44: {  	[spmem:s2] =	stream.indirect.scatter.add.f32 [tilespmem:s18], [sflag:$0x3], $0x80, s16, s16, $0xb8;
	[tilespmem:$0x1E900] =	vst v63  }
0x45: {  	_ =	swait.ge [sflag:s14], $0x4000  }
0x46: {  	[sflag:s14] =	ssyncset.done $0x0  }
0x47: {  	[sflag:s14] =	ssyncadd.s32 $0xFFFFC000  }
0x48: {  	v1 =	vld [tilespmem:$0x80];
	_ =	sdelay $0x7  }
0x49: {  	[tilespmem:v1+s15+$0x0] =	vst.idx.add.f32.msk $0xffff, v0  }
0x4a: {  	v1 =	vld [tilespmem:$0x90];
	_ =	sdelay $0x7  }
0x4b: {  	[tilespmem:v1+s15+$0x0] =	vst.idx.add.f32.msk $0xffff, v0  }
0x4c: {  	v1 =	vld [tilespmem:$0xA0];
	_ =	sdelay $0x7  }
0x4d: {  	[tilespmem:v1+s15+$0x0] =	vst.idx.add.f32.msk $0xffff, v0  }
0x4e: {  	v1 =	vld [tilespmem:$0xB0];
	_ =	sdelay $0x7  }
0x4f: {  	[tilespmem:v1+s15+$0x0] =	vst.idx.add.f32.msk $0xffff, v0  }
0x50: {  	v1 =	vld [tilespmem:$0xC0];
	_ =	sdelay $0x7  }
0x51: {  	[tilespmem:v1+s15+$0x0] =	vst.idx.add.f32.msk $0xffff, v0  }
0x52: {  	v1 =	vld [tilespmem:$0xD0];
	_ =	sdelay $0x7  }
0x53: {  	[tilespmem:v1+s15+$0x0] =	vst.idx.add.f32.msk $0xffff, v0  }
0x54: {  	v1 =	vld [tilespmem:$0xE0];
	_ =	sdelay $0x7  }
0x55: {  	[tilespmem:v1+s15+$0x0] =	vst.idx.add.f32.msk $0xffff, v0  }
0x56: {  	v1 =	vld [tilespmem:$0xF0];
	_ =	sdelay $0x2  }
0x57: {  	p0 =	sne.s32 s23, $0x260  }
.Ltmp0:
0x58: {  	_ = 	snop;
	(pc) =	sbr.rel @p0 .LBB2_2-.Ltmp0, $2  }
0x59: {  	_ =	sdelay $0x2  }
0x5a: {  	s23 =	sadd.s32 $0x20, s23;
	s22 =	sadd.s32 $0x1000, s22;
	[tilespmem:v1+s15+$0x0] =	vst.idx.add.f32.msk $0xffff, v0  }
0x5b: {  	[bflag:$0x0] =	sbarrier.arrive $0xFFFF  }
0x5c: {  	[hbm:s7], [sflag:s6] =	dma.local [spmem:s13], $0x2800  }
0x5d: {  	s21 =	sadd.s32 $0x1, s21;
	_ =	swait.ge [sflag:s14], $0x2800  }
0x5e: {  	p0 =	sne.s32 s21, s9;
	[sflag:s14] =	ssyncset.done $0x0  }
.Ltmp1:
0x5f: {  	[sflag:s14] =	ssyncadd.s32 $0xFFFFD800;
	(pc) =	sbr.rel @p0 .LBB2_1-.Ltmp1, $4  }
0x60: {  	[hbm4b:s8+s3] =	stream.linear.scatter [tilespmem:s15], [sflag:$0x3], $0x2800, $0x38;
	[tilespmem:$0x1E900] =	vst v63  }
0x61: {  	_ =	swait.ge [sflag:s14], $0x2800  }
0x62: {  	[sflag:s14] =	ssyncset.done $0x0  }
0x63: {  	[sflag:s14] =	ssyncadd.s32 $0xFFFFD800  }
0x64: {  	_ =	sfence.sel $0x180000  }
0x65: {  	[bflag:$0x0] =	sbarrier.arrive $0xFFFF  }
0x66: {  	p0 =	sne.s32 s1, $0x0;
	_ =	strace $0x9000004A  }
0x67: {  	s0 =	sadd.s32 @!p0 $0x100000, s0;
	[bflag:$0x2] =	sbarrier.arrive $0xFFFF  }
0x68: {  	[sflag:s0] =	ssyncadd.tile.s32 @!p0 $0x1;
	_ =	shalt  }
.Lfunc_end2:
_tile_overlayer_lowered:
.L_overlay_start_2:
0x69: {  	(tag) =	ssettag $0x2  }
0x6a: {  	s0 =	rddreg [dreg:$0x0];
	s2 =	stileid.u32  }
0x6b: {  	s1 =	rddreg [dreg:$0x1];
	p0 =	sne.s32 s2, $0x0  }
0x6c: {  	s3 =	rddreg [dreg:$0x2];
	[bflag:$0x3] =	sbarrier.arrive $0xFFFF;
	s2 =	simm.s32 @!p0 $0x1C03  }
0x6d: {  	[timem:s3], [sflag:s2] =	dma.local @!p0 [hbm:s0], s1  }
0x6e: {  	s0 =	simm.s32 @!p0 $0x3  }
0x6f: {  	_ =	swait.ge @!p0 [sflag:s0], s1  }
0x70: {  	s1 =	ssub.s32 @!p0 $0x0, s1;
	[sflag:s0] =	ssyncset.done @!p0 $0x0  }
0x71: {  	[sflag:s0] =	ssyncadd.s32 @!p0 s1  }
0x72: {  	[bflag:$0x3] =	sbarrier.arrive $0xFFFF  }
0x73: {  	_ =	shalt  }

</sc_bundles>
